<compile_context>
chip_gen: v7x
topology: tpu7x:2x2x1
jax: 0.10.2.dev20260603
libtpu: 0.0.44.dev20260713+nightly
codegen_flags: <defaults>
</compile_context>

<pallas_src>
import functools

import jax
import jax.numpy as jnp
from jax import lax
from jax.experimental import pallas as pl
from jax.experimental.pallas import tpu as pltpu
from jax.experimental.pallas import tpu_sc as plsc


def kernel(input_words, output_words, in_embed, out_embed):
    B, = input_words.shape
    V, D = in_embed.shape

    info = plsc.get_sparse_core_info()
    nc, ns, L = info.num_cores, info.num_subcores, info.num_lanes
    nw = nc * ns
    bpw = B // nw

    ie3 = in_embed.reshape(V // 8, 8, D)
    oe3 = out_embed.reshape(V // 8, 8, D)

    mesh = plsc.VectorSubcoreMesh(core_axis_name="c", subcore_axis_name="s")

    @functools.partial(
        pl.kernel,
        mesh=mesh,
        out_type=jax.ShapeDtypeStruct((2, B // 8, 8, D), jnp.float32),
        scratch_types=[
            pltpu.VMEM((bpw,), jnp.int32),
            pltpu.VMEM((bpw,), jnp.int32),
            pltpu.VMEM((bpw // 8, 8, D), jnp.float32),
            pltpu.SemaphoreType.DMA,
        ],
    )
    def _gather2(iw_hbm, ow_hbm, ie_hbm, oe_hbm, out_hbm,
                 idx0, idx1, buf, sem):
        wid = lax.axis_index("s") * nc + lax.axis_index("c")
        base = wid * bpw
        pltpu.sync_copy(iw_hbm.at[pl.ds(base, bpw)], idx0)
        pltpu.sync_copy(ow_hbm.at[pl.ds(base, bpw)], idx1)

        for table, idx, out_row in ((ie_hbm, idx0, 0), (oe_hbm, idx1, 1)):
            def issue(k, _, table=table, idx=idx):
                v = idx[pl.ds(k * L, L)]
                for j in range(L):
                    s = v[j]
                    r = k * L + j
                    pltpu.async_copy(
                        table.at[s >> 3, pl.ds(s & 7, 1)],
                        buf.at[r // 8, pl.ds(r % 8, 1)],
                        sem)
                return 0
            lax.fori_loop(0, bpw // L, issue, 0)
            pltpu.make_async_copy(
                ie_hbm.at[pl.ds(0, bpw // 8)], buf, sem).wait()
            pltpu.sync_copy(
                buf, out_hbm.at[out_row, pl.ds(base // 8, bpw // 8)])

    out = _gather2(input_words, output_words, ie3, oe3)
    return out.reshape(2, B, D)

# --- scband reference (transcript-rebuilt; emitter-appended) ---
"""Pipeline reference for scband-skip-gram-neg-35931696398482 (READ-ONLY COPY).

The authoritative reference and input builder live on the scoring server;
editing this copy changes nothing except your own understanding.
"""

import jax, jax.numpy as jnp
import numpy as np

N_VOCAB = 1000000
N_EMBED = 64
BATCH = 16384

def setup_inputs(seed: int = 0) -> dict:
    key = jax.random.key(seed)
    k1, k2, k3, k4 = jax.random.split(key, 4)
    input_words = jax.random.randint(k1, (BATCH,), 0, N_VOCAB, dtype=jnp.int64 if jax.config.jax_enable_x64 else jnp.int32)
    output_words = jax.random.randint(k2, (BATCH,), 0, N_VOCAB, dtype=jnp.int64 if jax.config.jax_enable_x64 else jnp.int32)
    # nn.init.uniform_(w, -1.0, 1.0)
    in_embed = jax.random.uniform(k3, (N_VOCAB, N_EMBED), dtype=jnp.float32, minval=-1.0, maxval=1.0)
    out_embed = jax.random.uniform(k4, (N_VOCAB, N_EMBED), dtype=jnp.float32, minval=-1.0, maxval=1.0)
    return {"input_words": input_words, "output_words": output_words, "in_embed": in_embed, "out_embed": out_embed}

def reference(input_words, output_words, in_embed, out_embed):
    # SkipGramNeg.forward_input: in_embed(input_words)
    input_vectors = jnp.take(in_embed, input_words, axis=0)
    # SkipGramNeg.forward_output: out_embed(output_words)
    output_vectors = jnp.take(out_embed, output_words, axis=0)
    # stack so output is a single array [2, B, D]
    return jnp.stack([input_vectors, output_vectors], axis=0)

if __name__ == "__main__":
    import jax
    _d = setup_inputs()
    print(jax.jit(kernel)(*tuple(_d.values())))

</pallas_src>

<mosaic_0001>
#map = affine_map<(d0, d1) -> (0)>
#map1 = affine_map<(d0, d1) -> (0, 0, 0)>
#map2 = affine_map<(d0, d1) -> (0, 0, 0, 0)>
module attributes {stable_mosaic.version = 14 : i64} {
  func.func @_gather2(%arg0: i32, %arg1: i32, %arg2: memref<16384xi32, #tpu.memory_space<hbm>>, %arg3: memref<16384xi32, #tpu.memory_space<hbm>>, %arg4: memref<125000x8x64xf32, #tpu.memory_space<hbm>>, %arg5: memref<125000x8x64xf32, #tpu.memory_space<hbm>>, %arg6: memref<2x2048x8x64xf32, #tpu.memory_space<hbm>>, %arg7: memref<512xi32, #tpu.memory_space<vmem>>, %arg8: memref<512xi32, #tpu.memory_space<vmem>>, %arg9: memref<64x8x64xf32, #tpu.memory_space<vmem>>, %arg10: memref<!tpu.dma_semaphore, #tpu.memory_space<semaphore_mem>>) attributes {dimension_semantics = [#tpu.dimension_semantics<core_parallel>, #tpu.dimension_semantics<subcore_parallel>], iteration_bounds = array<i64: 2, 16>, scalar_prefetch = 0 : i64, scratch_operands = 4 : i64, tpu.core_type = #tpu.core_type<sc_vector_subcore>, window_params = [{transform_indices = #map}, {transform_indices = #map}, {transform_indices = #map1}, {transform_indices = #map1}, {transform_indices = #map2}]} {
    %mul3A = arith.constant 2 : i32
    %mul3A_0 = arith.muli %arg1, %mul3A : i32
    %add3A = arith.addi %mul3A_0, %arg0 : i32
    %mul3A_1 = arith.constant 512 : i32
    %mul3A_2 = arith.muli %add3A, %mul3A_1 : i32
    "tpu.region"() ({
      %run_scoped3A_72 = tpu.sem_alloc : memref<!tpu.dma_semaphore, #tpu.memory_space<semaphore_mem>>
      %dma_start3A = tpu.memref_slice %arg2[%mul3A_2] : memref<16384xi32, #tpu.memory_space<hbm>> -> memref<512xi32, #tpu.memory_space<hbm>>
      %dma_start3A_73 = tpu.memref_slice %arg2[%mul3A_2] : memref<16384xi32, #tpu.memory_space<hbm>> -> memref<512xi32, #tpu.memory_space<hbm>>
      tpu.enqueue_dma source(%dma_start3A_73 : memref<512xi32, #tpu.memory_space<hbm>>) target(%arg7 : memref<512xi32, #tpu.memory_space<vmem>>) target_semaphore(%run_scoped3A_72 : memref<!tpu.dma_semaphore, #tpu.memory_space<semaphore_mem>>)
      %dma_wait3A_74 = tpu.memref_slice %arg2[%mul3A_2] : memref<16384xi32, #tpu.memory_space<hbm>> -> memref<512xi32, #tpu.memory_space<hbm>>
      %dma_wait3A_75 = tpu.memref_slice %arg2[%mul3A_2] : memref<16384xi32, #tpu.memory_space<hbm>> -> memref<512xi32, #tpu.memory_space<hbm>>
      tpu.wait_dma2 semaphore(%run_scoped3A_72 : memref<!tpu.dma_semaphore, #tpu.memory_space<semaphore_mem>>) src(%dma_wait3A_75 : memref<512xi32, #tpu.memory_space<hbm>>) dst(%arg7 : memref<512xi32, #tpu.memory_space<vmem>>)
      tpu.yield
    }) : () -> ()
    "tpu.region"() ({
      %run_scoped3A_72 = tpu.sem_alloc : memref<!tpu.dma_semaphore, #tpu.memory_space<semaphore_mem>>
      %dma_start3A = tpu.memref_slice %arg3[%mul3A_2] : memref<16384xi32, #tpu.memory_space<hbm>> -> memref<512xi32, #tpu.memory_space<hbm>>
      %dma_start3A_73 = tpu.memref_slice %arg3[%mul3A_2] : memref<16384xi32, #tpu.memory_space<hbm>> -> memref<512xi32, #tpu.memory_space<hbm>>
      tpu.enqueue_dma source(%dma_start3A_73 : memref<512xi32, #tpu.memory_space<hbm>>) target(%arg8 : memref<512xi32, #tpu.memory_space<vmem>>) target_semaphore(%run_scoped3A_72 : memref<!tpu.dma_semaphore, #tpu.memory_space<semaphore_mem>>)
      %dma_wait3A_74 = tpu.memref_slice %arg3[%mul3A_2] : memref<16384xi32, #tpu.memory_space<hbm>> -> memref<512xi32, #tpu.memory_space<hbm>>
      %dma_wait3A_75 = tpu.memref_slice %arg3[%mul3A_2] : memref<16384xi32, #tpu.memory_space<hbm>> -> memref<512xi32, #tpu.memory_space<hbm>>
      tpu.wait_dma2 semaphore(%run_scoped3A_72 : memref<!tpu.dma_semaphore, #tpu.memory_space<semaphore_mem>>) src(%dma_wait3A_75 : memref<512xi32, #tpu.memory_space<hbm>>) dst(%arg8 : memref<512xi32, #tpu.memory_space<vmem>>)
      tpu.yield
    }) : () -> ()
    %scan3A = arith.constant 0 : i32
    %scan3A_3 = arith.constant 0 : i32
    %scan3A_4 = arith.constant 32 : i32
    %scan3A_5 = arith.addi %scan3A_3, %scan3A_4 : i32
    %scan3A_6 = arith.constant 1 : i32
    %scan3A_7 = scf.for %scan3A_72 = %scan3A_3 to %scan3A_5 step %scan3A_6 iter_args(%scan3A_73 = %scan3A) -> (i32)  : i32 {
      %mul3A_74 = arith.constant 16 : i32
      %mul3A_75 = arith.muli %scan3A_72, %mul3A_74 : i32
      %get3A = arith.index_cast %mul3A_75 : i32 to index
      %get3A_76 = tpu.vector_load %arg7[%get3A] {strides = array<i32>} : memref<512xi32, #tpu.memory_space<vmem>>, vector<16xi32>,
      %get3A_77 = vector.shape_cast %get3A_76 : vector<16xi32> to vector<16xi32>
      %slice3A = vector.extract_strided_slice %get3A_77 {offsets = [0], sizes = [1], strides = [1]} : vector<16xi32> to vector<1xi32>
      %squeeze3A = vector.extract %slice3A[0] : i32 from vector<1xi32>
      %mul3A_78 = arith.constant 16 : i32
      %mul3A_79 = arith.muli %scan3A_72, %mul3A_78 : i32
      %add3A_80 = arith.constant 0 : i32
      %add3A_81 = arith.addi %mul3A_79, %add3A_80 : i32
      %shift_right_arithmetic3A = arith.constant 3 : i32
      %shift_right_arithmetic3A_82 = arith.shrsi %squeeze3A, %shift_right_arithmetic3A : i32
      %and3A_83 = arith.constant 7 : i32
      %and3A_84 = arith.andi %squeeze3A, %and3A_83 : i32
      %jit3A_85 = arith.constant 8 : i32
      %div3A_86 = arith.divsi %add3A_81, %jit3A_85 : i32
      %sign3A_87 = arith.constant 0 : i32
      %sign3A_88 = arith.cmpi sgt, %add3A_81, %sign3A_87 : i32
      %sign3A_89 = arith.extui %sign3A_88 : i1 to i32
      %sign3A_90 = arith.constant 0 : i32
      %sign3A_91 = arith.cmpi slt, %add3A_81, %sign3A_90 : i32
      %sign3A_92 = arith.extui %sign3A_91 : i1 to i32
      %sign3A_93 = arith.subi %sign3A_89, %sign3A_92 : i32
      %sign3A_94 = arith.constant 0 : i32
      %sign3A_95 = arith.cmpi sgt, %jit3A_85, %sign3A_94 : i32
      %sign3A_96 = arith.extui %sign3A_95 : i1 to i32
      %sign3A_97 = arith.constant 0 : i32
      %sign3A_98 = arith.cmpi slt, %jit3A_85, %sign3A_97 : i32
      %sign3A_99 = arith.extui %sign3A_98 : i1 to i32
      %sign3A_100 = arith.subi %sign3A_96, %sign3A_99 : i32
      %ne3A_101 = arith.cmpi ne, %sign3A_93, %sign3A_100 : i32
      %rem3A_102 = arith.remsi %add3A_81, %jit3A_85 : i32
      %ne3A_103 = arith.constant 0 : i32
      %ne3A_104 = arith.cmpi ne, %rem3A_102, %ne3A_103 : i32
      %and3A_105 = arith.andi %ne3A_101, %ne3A_104 : i1
      %sub3A_106 = arith.constant 1 : i32
      %sub3A_107 = arith.subi %div3A_86, %sub3A_106 : i32
      %select_n3A_108 = arith.select %and3A_105, %sub3A_107, %div3A_86 : i32
      %jit3A_109 = arith.constant 8 : i32
      %eq3A = arith.constant 0 : i32
      %eq3A_110 = arith.cmpi eq, %jit3A_109, %eq3A : i32
      %jit3A_111 = arith.constant 1 : i32
      %select_n3A_112 = arith.select %eq3A_110, %jit3A_111, %jit3A_109 : i32
      %rem3A_113 = arith.remsi %add3A_81, %select_n3A_112 : i32
      %ne3A_114 = arith.constant 0 : i32
      %ne3A_115 = arith.cmpi ne, %rem3A_113, %ne3A_114 : i32
      %lt3A = arith.constant 0 : i32
      %lt3A_116 = arith.cmpi slt, %rem3A_113, %lt3A : i32
      %lt3A_117 = arith.constant 0 : i32
      %lt3A_118 = arith.cmpi slt, %select_n3A_112, %lt3A_117 : i32
      %ne3A_119 = arith.xori %lt3A_116, %lt3A_118 : i1
      %and3A_120 = arith.andi %ne3A_119, %ne3A_115 : i1
      %add3A_121 = arith.addi %rem3A_113, %select_n3A_112 : i32
      %select_n3A_122 = arith.select %and3A_120, %add3A_121, %rem3A_113 : i32
      %dma_start3A = arith.constant 0 : i32
      %dma_start3A_123 = tpu.memref_slice %arg9[%select_n3A_108, %select_n3A_122, %dma_start3A] : memref<64x8x64xf32, #tpu.memory_space<vmem>> -> memref<1x1x64xf32, #tpu.memory_space<vmem>>
      %dma_start3A_124 = tpu.memref_squeeze %dma_start3A_123 : memref<1x1x64xf32, #tpu.memory_space<vmem>> -> memref<1x64xf32, #tpu.memory_space<vmem>>
      %dma_start3A_125 = arith.constant 0 : i32
      %dma_start3A_126 = tpu.memref_slice %arg4[%shift_right_arithmetic3A_82, %and3A_84, %dma_start3A_125] : memref<125000x8x64xf32, #tpu.memory_space<hbm>> -> memref<1x1x64xf32, #tpu.memory_space<hbm>>
      %dma_start3A_127 = tpu.memref_squeeze %dma_start3A_126 : memref<1x1x64xf32, #tpu.memory_space<hbm>> -> memref<1x64xf32, #tpu.memory_space<hbm>>
      %dma_start3A_128 = arith.constant 0 : i32
      %dma_start3A_129 = tpu.memref_slice %arg9[%select_n3A_108, %select_n3A_122, %dma_start3A_128] : memref<64x8x64xf32, #tpu.memory_space<vmem>> -> memref<1x1x64xf32, #tpu.memory_space<vmem>>
      %dma_start3A_130 = tpu.memref_squeeze %dma_start3A_129 : memref<1x1x64xf32, #tpu.memory_space<vmem>> -> memref<1x64xf32, #tpu.memory_space<vmem>>
      %dma_start3A_131 = arith.constant 0 : i32
      %dma_start3A_132 = tpu.memref_slice %arg4[%shift_right_arithmetic3A_82, %and3A_84, %dma_start3A_131] : memref<125000x8x64xf32, #tpu.memory_space<hbm>> -> memref<1x1x64xf32, #tpu.memory_space<hbm>>
      %dma_start3A_133 = tpu.memref_squeeze %dma_start3A_132 : memref<1x1x64xf32, #tpu.memory_space<hbm>> -> memref<1x64xf32, #tpu.memory_space<hbm>>
      tpu.enqueue_dma source(%dma_start3A_133 : memref<1x64xf32, #tpu.memory_space<hbm>>) target(%dma_start3A_130 : memref<1x64xf32, #tpu.memory_space<vmem>>) target_semaphore(%arg10 : memref<!tpu.dma_semaphore, #tpu.memory_space<semaphore_mem>>)
      %slice3A_134 = vector.extract_strided_slice %get3A_77 {offsets = [1], sizes = [1], strides = [1]} : vector<16xi32> to vector<1xi32>
      %squeeze3A_135 = vector.extract %slice3A_134[0] : i32 from vector<1xi32>
      %mul3A_136 = arith.constant 16 : i32
      %mul3A_137 = arith.muli %scan3A_72, %mul3A_136 : i32
      %add3A_138 = arith.constant 1 : i32
      %add3A_139 = arith.addi %mul3A_137, %add3A_138 : i32
      %shift_right_arithmetic3A_140 = arith.constant 3 : i32
      %shift_right_arithmetic3A_141 = arith.shrsi %squeeze3A_135, %shift_right_arithmetic3A_140 : i32
      %and3A_142 = arith.constant 7 : i32
      %and3A_143 = arith.andi %squeeze3A_135, %and3A_142 : i32
      %jit3A_144 = arith.constant 8 : i32
      %div3A_145 = arith.divsi %add3A_139, %jit3A_144 : i32
      %sign3A_146 = arith.constant 0 : i32
      %sign3A_147 = arith.cmpi sgt, %add3A_139, %sign3A_146 : i32
      %sign3A_148 = arith.extui %sign3A_147 : i1 to i32
      %sign3A_149 = arith.constant 0 : i32
      %sign3A_150 = arith.cmpi slt, %add3A_139, %sign3A_149 : i32
      %sign3A_151 = arith.extui %sign3A_150 : i1 to i32
      %sign3A_152 = arith.subi %sign3A_148, %sign3A_151 : i32
      %sign3A_153 = arith.constant 0 : i32
      %sign3A_154 = arith.cmpi sgt, %jit3A_144, %sign3A_153 : i32
      %sign3A_155 = arith.extui %sign3A_154 : i1 to i32
      %sign3A_156 = arith.constant 0 : i32
      %sign3A_157 = arith.cmpi slt, %jit3A_144, %sign3A_156 : i32
      %sign3A_158 = arith.extui %sign3A_157 : i1 to i32
      %sign3A_159 = arith.subi %sign3A_155, %sign3A_158 : i32
      %ne3A_160 = arith.cmpi ne, %sign3A_152, %sign3A_159 : i32
      %rem3A_161 = arith.remsi %add3A_139, %jit3A_144 : i32
      %ne3A_162 = arith.constant 0 : i32
      %ne3A_163 = arith.cmpi ne, %rem3A_161, %ne3A_162 : i32
      %and3A_164 = arith.andi %ne3A_160, %ne3A_163 : i1
      %sub3A_165 = arith.constant 1 : i32
      %sub3A_166 = arith.subi %div3A_145, %sub3A_165 : i32
      %select_n3A_167 = arith.select %and3A_164, %sub3A_166, %div3A_145 : i32
      %jit3A_168 = arith.constant 8 : i32
      %eq3A_169 = arith.constant 0 : i32
      %eq3A_170 = arith.cmpi eq, %jit3A_168, %eq3A_169 : i32
      %jit3A_171 = arith.constant 1 : i32
      %select_n3A_172 = arith.select %eq3A_170, %jit3A_171, %jit3A_168 : i32
      %rem3A_173 = arith.remsi %add3A_139, %select_n3A_172 : i32
      %ne3A_174 = arith.constant 0 : i32
      %ne3A_175 = arith.cmpi ne, %rem3A_173, %ne3A_174 : i32
      %lt3A_176 = arith.constant 0 : i32
      %lt3A_177 = arith.cmpi slt, %rem3A_173, %lt3A_176 : i32
      %lt3A_178 = arith.constant 0 : i32
      %lt3A_179 = arith.cmpi slt, %select_n3A_172, %lt3A_178 : i32
      %ne3A_180 = arith.xori %lt3A_177, %lt3A_179 : i1
      %and3A_181 = arith.andi %ne3A_180, %ne3A_175 : i1
      %add3A_182 = arith.addi %rem3A_173, %select_n3A_172 : i32
      %select_n3A_183 = arith.select %and3A_181, %add3A_182, %rem3A_173 : i32
      %dma_start3A_184 = arith.constant 0 : i32
      %dma_start3A_185 = tpu.memref_slice %arg9[%select_n3A_167, %select_n3A_183, %dma_start3A_184] : memref<64x8x64xf32, #tpu.memory_space<vmem>> -> memref<1x1x64xf32, #tpu.memory_space<vmem>>
      %dma_start3A_186 = tpu.memref_squeeze %dma_start3A_185 : memref<1x1x64xf32, #tpu.memory_space<vmem>> -> memref<1x64xf32, #tpu.memory_space<vmem>>
      %dma_start3A_187 = arith.constant 0 : i32
      %dma_start3A_188 = tpu.memref_slice %arg4[%shift_right_arithmetic3A_141, %and3A_143, %dma_start3A_187] : memref<125000x8x64xf32, #tpu.memory_space<hbm>> -> memref<1x1x64xf32, #tpu.memory_space<hbm>>
      %dma_start3A_189 = tpu.memref_squeeze %dma_start3A_188 : memref<1x1x64xf32, #tpu.memory_space<hbm>> -> memref<1x64xf32, #tpu.memory_space<hbm>>
      %dma_start3A_190 = arith.constant 0 : i32
      %dma_start3A_191 = tpu.memref_slice %arg9[%select_n3A_167, %select_n3A_183, %dma_start3A_190] : memref<64x8x64xf32, #tpu.memory_space<vmem>> -> memref<1x1x64xf32, #tpu.memory_space<vmem>>
      %dma_start3A_192 = tpu.memref_squeeze %dma_start3A_191 : memref<1x1x64xf32, #tpu.memory_space<vmem>> -> memref<1x64xf32, #tpu.memory_space<vmem>>
      %dma_start3A_193 = arith.constant 0 : i32
      %dma_start3A_194 = tpu.memref_slice %arg4[%shift_right_arithmetic3A_141, %and3A_143, %dma_start3A_193] : memref<125000x8x64xf32, #tpu.memory_space<hbm>> -> memref<1x1x64xf32, #tpu.memory_space<hbm>>
      %dma_start3A_195 = tpu.memref_squeeze %dma_start3A_194 : memref<1x1x64xf32, #tpu.memory_space<hbm>> -> memref<1x64xf32, #tpu.memory_space<hbm>>
      tpu.enqueue_dma source(%dma_start3A_195 : memref<1x64xf32, #tpu.memory_space<hbm>>) target(%dma_start3A_192 : memref<1x64xf32, #tpu.memory_space<vmem>>) target_semaphore(%arg10 : memref<!tpu.dma_semaphore, #tpu.memory_space<semaphore_mem>>)
      %slice3A_196 = vector.extract_strided_slice %get3A_77 {offsets = [2], sizes = [1], strides = [1]} : vector<16xi32> to vector<1xi32>
      %squeeze3A_197 = vector.extract %slice3A_196[0] : i32 from vector<1xi32>
      %mul3A_198 = arith.constant 16 : i32
      %mul3A_199 = arith.muli %scan3A_72, %mul3A_198 : i32
      %add3A_200 = arith.constant 2 : i32
      %add3A_201 = arith.addi %mul3A_199, %add3A_200 : i32
      %shift_right_arithmetic3A_202 = arith.constant 3 : i32
      %shift_right_arithmetic3A_203 = arith.shrsi %squeeze3A_197, %shift_right_arithmetic3A_202 : i32
      %and3A_204 = arith.constant 7 : i32
      %and3A_205 = arith.andi %squeeze3A_197, %and3A_204 : i32
      %jit3A_206 = arith.constant 8 : i32
      %div3A_207 = arith.divsi %add3A_201, %jit3A_206 : i32
      %sign3A_208 = arith.constant 0 : i32
      %sign3A_209 = arith.cmpi sgt, %add3A_201, %sign3A_208 : i32
      %sign3A_210 = arith.extui %sign3A_209 : i1 to i32
      %sign3A_211 = arith.constant 0 : i32
      %sign3A_212 = arith.cmpi slt, %add3A_201, %sign3A_211 : i32
      %sign3A_213 = arith.extui %sign3A_212 : i1 to i32
      %sign3A_214 = arith.subi %sign3A_210, %sign3A_213 : i32
      %sign3A_215 = arith.constant 0 : i32
      %sign3A_216 = arith.cmpi sgt, %jit3A_206, %sign3A_215 : i32
      %sign3A_217 = arith.extui %sign3A_216 : i1 to i32
      %sign3A_218 = arith.constant 0 : i32
      %sign3A_219 = arith.cmpi slt, %jit3A_206, %sign3A_218 : i32
      %sign3A_220 = arith.extui %sign3A_219 : i1 to i32
      %sign3A_221 = arith.subi %sign3A_217, %sign3A_220 : i32
      %ne3A_222 = arith.cmpi ne, %sign3A_214, %sign3A_221 : i32
      %rem3A_223 = arith.remsi %add3A_201, %jit3A_206 : i32
      %ne3A_224 = arith.constant 0 : i32
      %ne3A_225 = arith.cmpi ne, %rem3A_223, %ne3A_224 : i32
      %and3A_226 = arith.andi %ne3A_222, %ne3A_225 : i1
      %sub3A_227 = arith.constant 1 : i32
      %sub3A_228 = arith.subi %div3A_207, %sub3A_227 : i32
      %select_n3A_229 = arith.select %and3A_226, %sub3A_228, %div3A_207 : i32
      %jit3A_230 = arith.constant 8 : i32
      %eq3A_231 = arith.constant 0 : i32
      %eq3A_232 = arith.cmpi eq, %jit3A_230, %eq3A_231 : i32
      %jit3A_233 = arith.constant 1 : i32
      %select_n3A_234 = arith.select %eq3A_232, %jit3A_233, %jit3A_230 : i32
      %rem3A_235 = arith.remsi %add3A_201, %select_n3A_234 : i32
      %ne3A_236 = arith.constant 0 : i32
      %ne3A_237 = arith.cmpi ne, %rem3A_235, %ne3A_236 : i32
      %lt3A_238 = arith.constant 0 : i32
      %lt3A_239 = arith.cmpi slt, %rem3A_235, %lt3A_238 : i32
      %lt3A_240 = arith.constant 0 : i32
      %lt3A_241 = arith.cmpi slt, %select_n3A_234, %lt3A_240 : i32
      %ne3A_242 = arith.xori %lt3A_239, %lt3A_241 : i1
      %and3A_243 = arith.andi %ne3A_242, %ne3A_237 : i1
      %add3A_244 = arith.addi %rem3A_235, %select_n3A_234 : i32
      %select_n3A_245 = arith.select %and3A_243, %add3A_244, %rem3A_235 : i32
      %dma_start3A_246 = arith.constant 0 : i32
      %dma_start3A_247 = tpu.memref_slice %arg9[%select_n3A_229, %select_n3A_245, %dma_start3A_246] : memref<64x8x64xf32, #tpu.memory_space<vmem>> -> memref<1x1x64xf32, #tpu.memory_space<vmem>>
      %dma_start3A_248 = tpu.memref_squeeze %dma_start3A_247 : memref<1x1x64xf32, #tpu.memory_space<vmem>> -> memref<1x64xf32, #tpu.memory_space<vmem>>
      %dma_start3A_249 = arith.constant 0 : i32
      %dma_start3A_250 = tpu.memref_slice %arg4[%shift_right_arithmetic3A_203, %and3A_205, %dma_start3A_249] : memref<125000x8x64xf32, #tpu.memory_space<hbm>> -> memref<1x1x64xf32, #tpu.memory_space<hbm>>
      %dma_start3A_251 = tpu.memref_squeeze %dma_start3A_250 : memref<1x1x64xf32, #tpu.memory_space<hbm>> -> memref<1x64xf32, #tpu.memory_space<hbm>>
      %dma_start3A_252 = arith.constant 0 : i32
      %dma_start3A_253 = tpu.memref_slice %arg9[%select_n3A_229, %select_n3A_245, %dma_start3A_252] : memref<64x8x64xf32, #tpu.memory_space<vmem>> -> memref<1x1x64xf32, #tpu.memory_space<vmem>>
      %dma_start3A_254 = tpu.memref_squeeze %dma_start3A_253 : memref<1x1x64xf32, #tpu.memory_space<vmem>> -> memref<1x64xf32, #tpu.memory_space<vmem>>
      %dma_start3A_255 = arith.constant 0 : i32
      %dma_start3A_256 = tpu.memref_slice %arg4[%shift_right_arithmetic3A_203, %and3A_205, %dma_start3A_255] : memref<125000x8x64xf32, #tpu.memory_space<hbm>> -> memref<1x1x64xf32, #tpu.memory_space<hbm>>
      %dma_start3A_257 = tpu.memref_squeeze %dma_start3A_256 : memref<1x1x64xf32, #tpu.memory_space<hbm>> -> memref<1x64xf32, #tpu.memory_space<hbm>>
      tpu.enqueue_dma source(%dma_start3A_257 : memref<1x64xf32, #tpu.memory_space<hbm>>) target(%dma_start3A_254 : memref<1x64xf32, #tpu.memory_space<vmem>>) target_semaphore(%arg10 : memref<!tpu.dma_semaphore, #tpu.memory_space<semaphore_mem>>)
      %slice3A_258 = vector.extract_strided_slice %get3A_77 {offsets = [3], sizes = [1], strides = [1]} : vector<16xi32> to vector<1xi32>
      %squeeze3A_259 = vector.extract %slice3A_258[0] : i32 from vector<1xi32>
      %mul3A_260 = arith.constant 16 : i32
      %mul3A_261 = arith.muli %scan3A_72, %mul3A_260 : i32
      %add3A_262 = arith.constant 3 : i32
      %add3A_263 = arith.addi %mul3A_261, %add3A_262 : i32
      %shift_right_arithmetic3A_264 = arith.constant 3 : i32
      %shift_right_arithmetic3A_265 = arith.shrsi %squeeze3A_259, %shift_right_arithmetic3A_264 : i32
      %and3A_266 = arith.constant 7 : i32
      %and3A_267 = arith.andi %squeeze3A_259, %and3A_266 : i32
      %jit3A_268 = arith.constant 8 : i32
      %div3A_269 = arith.divsi %add3A_263, %jit3A_268 : i32
      %sign3A_270 = arith.constant 0 : i32
      %sign3A_271 = arith.cmpi sgt, %add3A_263, %sign3A_270 : i32
      %sign3A_272 = arith.extui %sign3A_271 : i1 to i32
      %sign3A_273 = arith.constant 0 : i32
      %sign3A_274 = arith.cmpi slt, %add3A_263, %sign3A_273 : i32
      %sign3A_275 = arith.extui %sign3A_274 : i1 to i32
      %sign3A_276 = arith.subi %sign3A_272, %sign3A_275 : i32
      %sign3A_277 = arith.constant 0 : i32
      %sign3A_278 = arith.cmpi sgt, %jit3A_268, %sign3A_277 : i32
      %sign3A_279 = arith.extui %sign3A_278 : i1 to i32
      %sign3A_280 = arith.constant 0 : i32
      %sign3A_281 = arith.cmpi slt, %jit3A_268, %sign3A_280 : i32
      %sign3A_282 = arith.extui %sign3A_281 : i1 to i32
      %sign3A_283 = arith.subi %sign3A_279, %sign3A_282 : i32
      %ne3A_284 = arith.cmpi ne, %sign3A_276, %sign3A_283 : i32
      %rem3A_285 = arith.remsi %add3A_263, %jit3A_268 : i32
      %ne3A_286 = arith.constant 0 : i32
      %ne3A_287 = arith.cmpi ne, %rem3A_285, %ne3A_286 : i32
      %and3A_288 = arith.andi %ne3A_284, %ne3A_287 : i1
      %sub3A_289 = arith.constant 1 : i32
      %sub3A_290 = arith.subi %div3A_269, %sub3A_289 : i32
      %select_n3A_291 = arith.select %and3A_288, %sub3A_290, %div3A_269 : i32
      %jit3A_292 = arith.constant 8 : i32
      %eq3A_293 = arith.constant 0 : i32
      %eq3A_294 = arith.cmpi eq, %jit3A_292, %eq3A_293 : i32
      %jit3A_295 = arith.constant 1 : i32
      %select_n3A_296 = arith.select %eq3A_294, %jit3A_295, %jit3A_292 : i32
      %rem3A_297 = arith.remsi %add3A_263, %select_n3A_296 : i32
      %ne3A_298 = arith.constant 0 : i32
      %ne3A_299 = arith.cmpi ne, %rem3A_297, %ne3A_298 : i32
      %lt3A_300 = arith.constant 0 : i32
      %lt3A_301 = arith.cmpi slt, %rem3A_297, %lt3A_300 : i32
      %lt3A_302 = arith.constant 0 : i32
      %lt3A_303 = arith.cmpi slt, %select_n3A_296, %lt3A_302 : i32
      %ne3A_304 = arith.xori %lt3A_301, %lt3A_303 : i1
      %and3A_305 = arith.andi %ne3A_304, %ne3A_299 : i1
      %add3A_306 = arith.addi %rem3A_297, %select_n3A_296 : i32
      %select_n3A_307 = arith.select %and3A_305, %add3A_306, %rem3A_297 : i32
      %dma_start3A_308 = arith.constant 0 : i32
      %dma_start3A_309 = tpu.memref_slice %arg9[%select_n3A_291, %select_n3A_307, %dma_start3A_308] : memref<64x8x64xf32, #tpu.memory_space<vmem>> -> memref<1x1x64xf32, #tpu.memory_space<vmem>>
      %dma_start3A_310 = tpu.memref_squeeze %dma_start3A_309 : memref<1x1x64xf32, #tpu.memory_space<vmem>> -> memref<1x64xf32, #tpu.memory_space<vmem>>
      %dma_start3A_311 = arith.constant 0 : i32
      %dma_start3A_312 = tpu.memref_slice %arg4[%shift_right_arithmetic3A_265, %and3A_267, %dma_start3A_311] : memref<125000x8x64xf32, #tpu.memory_space<hbm>> -> memref<1x1x64xf32, #tpu.memory_space<hbm>>
      %dma_start3A_313 = tpu.memref_squeeze %dma_start3A_312 : memref<1x1x64xf32, #tpu.memory_space<hbm>> -> memref<1x64xf32, #tpu.memory_space<hbm>>
      %dma_start3A_314 = arith.constant 0 : i32
      %dma_start3A_315 = tpu.memref_slice %arg9[%select_n3A_291, %select_n3A_307, %dma_start3A_314] : memref<64x8x64xf32, #tpu.memory_space<vmem>> -> memref<1x1x64xf32, #tpu.memory_space<vmem>>
      %dma_start3A_316 = tpu.memref_squeeze %dma_start3A_315 : memref<1x1x64xf32, #tpu.memory_space<vmem>> -> memref<1x64xf32, #tpu.memory_space<vmem>>
      %dma_start3A_317 = arith.constant 0 : i32
      %dma_start3A_318 = tpu.memref_slice %arg4[%shift_right_arithmetic3A_265, %and3A_267, %dma_start3A_317] : memref<125000x8x64xf32, #tpu.memory_space<hbm>> -> memref<1x1x64xf32, #tpu.memory_space<hbm>>
      %dma_start3A_319 = tpu.memref_squeeze %dma_start3A_318 : memref<1x1x64xf32, #tpu.memory_space<hbm>> -> memref<1x64xf32, #tpu.memory_space<hbm>>
      tpu.enqueue_dma source(%dma_start3A_319 : memref<1x64xf32, #tpu.memory_space<hbm>>) target(%dma_start3A_316 : memref<1x64xf32, #tpu.memory_space<vmem>>) target_semaphore(%arg10 : memref<!tpu.dma_semaphore, #tpu.memory_space<semaphore_mem>>)
      %slice3A_320 = vector.extract_strided_slice %get3A_77 {offsets = [4], sizes = [1], strides = [1]} : vector<16xi32> to vector<1xi32>
      %squeeze3A_321 = vector.extract %slice3A_320[0] : i32 from vector<1xi32>
      %mul3A_322 = arith.constant 16 : i32
      %mul3A_323 = arith.muli %scan3A_72, %mul3A_322 : i32
      %add3A_324 = arith.constant 4 : i32
      %add3A_325 = arith.addi %mul3A_323, %add3A_324 : i32
      %shift_right_arithmetic3A_326 = arith.constant 3 : i32
      %shift_right_arithmetic3A_327 = arith.shrsi %squeeze3A_321, %shift_right_arithmetic3A_326 : i32
      %and3A_328 = arith.constant 7 : i32
      %and3A_329 = arith.andi %squeeze3A_321, %and3A_328 : i32
      %jit3A_330 = arith.constant 8 : i32
      %div3A_331 = arith.divsi %add3A_325, %jit3A_330 : i32
      %sign3A_332 = arith.constant 0 : i32
      %sign3A_333 = arith.cmpi sgt, %add3A_325, %sign3A_332 : i32
      %sign3A_334 = arith.extui %sign3A_333 : i1 to i32
      %sign3A_335 = arith.constant 0 : i32
      %sign3A_336 = arith.cmpi slt, %add3A_325, %sign3A_335 : i32
      %sign3A_337 = arith.extui %sign3A_336 : i1 to i32
      %sign3A_338 = arith.subi %sign3A_334, %sign3A_337 : i32
      %sign3A_339 = arith.constant 0 : i32
      %sign3A_340 = arith.cmpi sgt, %jit3A_330, %sign3A_339 : i32
      %sign3A_341 = arith.extui %sign3A_340 : i1 to i32
      %sign3A_342 = arith.constant 0 : i32
      %sign3A_343 = arith.cmpi slt, %jit3A_330, %sign3A_342 : i32
      %sign3A_344 = arith.extui %sign3A_343 : i1 to i32
      %sign3A_345 = arith.subi %sign3A_341, %sign3A_344 : i32
      %ne3A_346 = arith.cmpi ne, %sign3A_338, %sign3A_345 : i32
      %rem3A_347 = arith.remsi %add3A_325, %jit3A_330 : i32
      %ne3A_348 = arith.constant 0 : i32
      %ne3A_349 = arith.cmpi ne, %rem3A_347, %ne3A_348 : i32
      %and3A_350 = arith.andi %ne3A_346, %ne3A_349 : i1
      %sub3A_351 = arith.constant 1 : i32
      %sub3A_352 = arith.subi %div3A_331, %sub3A_351 : i32
      %select_n3A_353 = arith.select %and3A_350, %sub3A_352, %div3A_331 : i32
      %jit3A_354 = arith.constant 8 : i32
      %eq3A_355 = arith.constant 0 : i32
      %eq3A_356 = arith.cmpi eq, %jit3A_354, %eq3A_355 : i32
      %jit3A_357 = arith.constant 1 : i32
      %select_n3A_358 = arith.select %eq3A_356, %jit3A_357, %jit3A_354 : i32
      %rem3A_359 = arith.remsi %add3A_325, %select_n3A_358 : i32
      %ne3A_360 = arith.constant 0 : i32
      %ne3A_361 = arith.cmpi ne, %rem3A_359, %ne3A_360 : i32
      %lt3A_362 = arith.constant 0 : i32
      %lt3A_363 = arith.cmpi slt, %rem3A_359, %lt3A_362 : i32
      %lt3A_364 = arith.constant 0 : i32
      %lt3A_365 = arith.cmpi slt, %select_n3A_358, %lt3A_364 : i32
      %ne3A_366 = arith.xori %lt3A_363, %lt3A_365 : i1
      %and3A_367 = arith.andi %ne3A_366, %ne3A_361 : i1
      %add3A_368 = arith.addi %rem3A_359, %select_n3A_358 : i32
      %select_n3A_369 = arith.select %and3A_367, %add3A_368, %rem3A_359 : i32
      %dma_start3A_370 = arith.constant 0 : i32
      %dma_start3A_371 = tpu.memref_slice %arg9[%select_n3A_353, %select_n3A_369, %dma_start3A_370] : memref<64x8x64xf32, #tpu.memory_space<vmem>> -> memref<1x1x64xf32, #tpu.memory_space<vmem>>
      %dma_start3A_372 = tpu.memref_squeeze %dma_start3A_371 : memref<1x1x64xf32, #tpu.memory_space<vmem>> -> memref<1x64xf32, #tpu.memory_space<vmem>>
      %dma_start3A_373 = arith.constant 0 : i32
      %dma_start3A_374 = tpu.memref_slice %arg4[%shift_right_arithmetic3A_327, %and3A_329, %dma_start3A_373] : memref<125000x8x64xf32, #tpu.memory_space<hbm>> -> memref<1x1x64xf32, #tpu.memory_space<hbm>>
      %dma_start3A_375 = tpu.memref_squeeze %dma_start3A_374 : memref<1x1x64xf32, #tpu.memory_space<hbm>> -> memref<1x64xf32, #tpu.memory_space<hbm>>
      %dma_start3A_376 = arith.constant 0 : i32
      %dma_start3A_377 = tpu.memref_slice %arg9[%select_n3A_353, %select_n3A_369, %dma_start3A_376] : memref<64x8x64xf32, #tpu.memory_space<vmem>> -> memref<1x1x64xf32, #tpu.memory_space<vmem>>
      %dma_start3A_378 = tpu.memref_squeeze %dma_start3A_377 : memref<1x1x64xf32, #tpu.memory_space<vmem>> -> memref<1x64xf32, #tpu.memory_space<vmem>>
      %dma_start3A_379 = arith.constant 0 : i32
      %dma_start3A_380 = tpu.memref_slice %arg4[%shift_right_arithmetic3A_327, %and3A_329, %dma_start3A_379] : memref<125000x8x64xf32, #tpu.memory_space<hbm>> -> memref<1x1x64xf32, #tpu.memory_space<hbm>>
      %dma_start3A_381 = tpu.memref_squeeze %dma_start3A_380 : memref<1x1x64xf32, #tpu.memory_space<hbm>> -> memref<1x64xf32, #tpu.memory_space<hbm>>
      tpu.enqueue_dma source(%dma_start3A_381 : memref<1x64xf32, #tpu.memory_space<hbm>>) target(%dma_start3A_378 : memref<1x64xf32, #tpu.memory_space<vmem>>) target_semaphore(%arg10 : memref<!tpu.dma_semaphore, #tpu.memory_space<semaphore_mem>>)
      %slice3A_382 = vector.extract_strided_slice %get3A_77 {offsets = [5], sizes = [1], strides = [1]} : vector<16xi32> to vector<1xi32>
      %squeeze3A_383 = vector.extract %slice3A_382[0] : i32 from vector<1xi32>
      %mul3A_384 = arith.constant 16 : i32
      %mul3A_385 = arith.muli %scan3A_72, %mul3A_384 : i32
      %add3A_386 = arith.constant 5 : i32
      %add3A_387 = arith.addi %mul3A_385, %add3A_386 : i32
      %shift_right_arithmetic3A_388 = arith.constant 3 : i32
      %shift_right_arithmetic3A_389 = arith.shrsi %squeeze3A_383, %shift_right_arithmetic3A_388 : i32
      %and3A_390 = arith.constant 7 : i32
      %and3A_391 = arith.andi %squeeze3A_383, %and3A_390 : i32
      %jit3A_392 = arith.constant 8 : i32
      %div3A_393 = arith.divsi %add3A_387, %jit3A_392 : i32
      %sign3A_394 = arith.constant 0 : i32
      %sign3A_395 = arith.cmpi sgt, %add3A_387, %sign3A_394 : i32
      %sign3A_396 = arith.extui %sign3A_395 : i1 to i32
      %sign3A_397 = arith.constant 0 : i32
      %sign3A_398 = arith.cmpi slt, %add3A_387, %sign3A_397 : i32
      %sign3A_399 = arith.extui %sign3A_398 : i1 to i32
      %sign3A_400 = arith.subi %sign3A_396, %sign3A_399 : i32
      %sign3A_401 = arith.constant 0 : i32
      %sign3A_402 = arith.cmpi sgt, %jit3A_392, %sign3A_401 : i32
      %sign3A_403 = arith.extui %sign3A_402 : i1 to i32
      %sign3A_404 = arith.constant 0 : i32
      %sign3A_405 = arith.cmpi slt, %jit3A_392, %sign3A_404 : i32
      %sign3A_406 = arith.extui %sign3A_405 : i1 to i32
      %sign3A_407 = arith.subi %sign3A_403, %sign3A_406 : i32
      %ne3A_408 = arith.cmpi ne, %sign3A_400, %sign3A_407 : i32
      %rem3A_409 = arith.remsi %add3A_387, %jit3A_392 : i32
      %ne3A_410 = arith.constant 0 : i32
      %ne3A_411 = arith.cmpi ne, %rem3A_409, %ne3A_410 : i32
      %and3A_412 = arith.andi %ne3A_408, %ne3A_411 : i1
      %sub3A_413 = arith.constant 1 : i32
      %sub3A_414 = arith.subi %div3A_393, %sub3A_413 : i32
      %select_n3A_415 = arith.select %and3A_412, %sub3A_414, %div3A_393 : i32
      %jit3A_416 = arith.constant 8 : i32
      %eq3A_417 = arith.constant 0 : i32
      %eq3A_418 = arith.cmpi eq, %jit3A_416, %eq3A_417 : i32
      %jit3A_419 = arith.constant 1 : i32
      %select_n3A_420 = arith.select %eq3A_418, %jit3A_419, %jit3A_416 : i32
      %rem3A_421 = arith.remsi %add3A_387, %select_n3A_420 : i32
      %ne3A_422 = arith.constant 0 : i32
      %ne3A_423 = arith.cmpi ne, %rem3A_421, %ne3A_422 : i32
      %lt3A_424 = arith.constant 0 : i32
      %lt3A_425 = arith.cmpi slt, %rem3A_421, %lt3A_424 : i32
      %lt3A_426 = arith.constant 0 : i32
      %lt3A_427 = arith.cmpi slt, %select_n3A_420, %lt3A_426 : i32
      %ne3A_428 = arith.xori %lt3A_425, %lt3A_427 : i1
      %and3A_429 = arith.andi %ne3A_428, %ne3A_423 : i1
      %add3A_430 = arith.addi %rem3A_421, %select_n3A_420 : i32
      %select_n3A_431 = arith.select %and3A_429, %add3A_430, %rem3A_421 : i32
      %dma_start3A_432 = arith.constant 0 : i32
      %dma_start3A_433 = tpu.memref_slice %arg9[%select_n3A_415, %select_n3A_431, %dma_start3A_432] : memref<64x8x64xf32, #tpu.memory_space<vmem>> -> memref<1x1x64xf32, #tpu.memory_space<vmem>>
      %dma_start3A_434 = tpu.memref_squeeze %dma_start3A_433 : memref<1x1x64xf32, #tpu.memory_space<vmem>> -> memref<1x64xf32, #tpu.memory_space<vmem>>
      %dma_start3A_435 = arith.constant 0 : i32
      %dma_start3A_436 = tpu.memref_slice %arg4[%shift_right_arithmetic3A_389, %and3A_391, %dma_start3A_435] : memref<125000x8x64xf32, #tpu.memory_space<hbm>> -> memref<1x1x64xf32, #tpu.memory_space<hbm>>
      %dma_start3A_437 = tpu.memref_squeeze %dma_start3A_436 : memref<1x1x64xf32, #tpu.memory_space<hbm>> -> memref<1x64xf32, #tpu.memory_space<hbm>>
      %dma_start3A_438 = arith.constant 0 : i32
      %dma_start3A_439 = tpu.memref_slice %arg9[%select_n3A_415, %select_n3A_431, %dma_start3A_438] : memref<64x8x64xf32, #tpu.memory_space<vmem>> -> memref<1x1x64xf32, #tpu.memory_space<vmem>>
      %dma_start3A_440 = tpu.memref_squeeze %dma_start3A_439 : memref<1x1x64xf32, #tpu.memory_space<vmem>> -> memref<1x64xf32, #tpu.memory_space<vmem>>
      %dma_start3A_441 = arith.constant 0 : i32
      %dma_start3A_442 = tpu.memref_slice %arg4[%shift_right_arithmetic3A_389, %and3A_391, %dma_start3A_441] : memref<125000x8x64xf32, #tpu.memory_space<hbm>> -> memref<1x1x64xf32, #tpu.memory_space<hbm>>
      %dma_start3A_443 = tpu.memref_squeeze %dma_start3A_442 : memref<1x1x64xf32, #tpu.memory_space<hbm>> -> memref<1x64xf32, #tpu.memory_space<hbm>>
      tpu.enqueue_dma source(%dma_start3A_443 : memref<1x64xf32, #tpu.memory_space<hbm>>) target(%dma_start3A_440 : memref<1x64xf32, #tpu.memory_space<vmem>>) target_semaphore(%arg10 : memref<!tpu.dma_semaphore, #tpu.memory_space<semaphore_mem>>)
      %slice3A_444 = vector.extract_strided_slice %get3A_77 {offsets = [6], sizes = [1], strides = [1]} : vector<16xi32> to vector<1xi32>
      %squeeze3A_445 = vector.extract %slice3A_444[0] : i32 from vector<1xi32>
      %mul3A_446 = arith.constant 16 : i32
      %mul3A_447 = arith.muli %scan3A_72, %mul3A_446 : i32
      %add3A_448 = arith.constant 6 : i32
      %add3A_449 = arith.addi %mul3A_447, %add3A_448 : i32
      %shift_right_arithmetic3A_450 = arith.constant 3 : i32
      %shift_right_arithmetic3A_451 = arith.shrsi %squeeze3A_445, %shift_right_arithmetic3A_450 : i32
      %and3A_452 = arith.constant 7 : i32
      %and3A_453 = arith.andi %squeeze3A_445, %and3A_452 : i32
      %jit3A_454 = arith.constant 8 : i32
      %div3A_455 = arith.divsi %add3A_449, %jit3A_454 : i32
      %sign3A_456 = arith.constant 0 : i32
      %sign3A_457 = arith.cmpi sgt, %add3A_449, %sign3A_456 : i32
      %sign3A_458 = arith.extui %sign3A_457 : i1 to i32
      %sign3A_459 = arith.constant 0 : i32
      %sign3A_460 = arith.cmpi slt, %add3A_449, %sign3A_459 : i32
      %sign3A_461 = arith.extui %sign3A_460 : i1 to i32
      %sign3A_462 = arith.subi %sign3A_458, %sign3A_461 : i32
      %sign3A_463 = arith.constant 0 : i32
      %sign3A_464 = arith.cmpi sgt, %jit3A_454, %sign3A_463 : i32
      %sign3A_465 = arith.extui %sign3A_464 : i1 to i32
      %sign3A_466 = arith.constant 0 : i32
      %sign3A_467 = arith.cmpi slt, %jit3A_454, %sign3A_466 : i32
      %sign3A_468 = arith.extui %sign3A_467 : i1 to i32
      %sign3A_469 = arith.subi %sign3A_465, %sign3A_468 : i32
      %ne3A_470 = arith.cmpi ne, %sign3A_462, %sign3A_469 : i32
      %rem3A_471 = arith.remsi %add3A_449, %jit3A_454 : i32
      %ne3A_472 = arith.constant 0 : i32
      %ne3A_473 = arith.cmpi ne, %rem3A_471, %ne3A_472 : i32
      %and3A_474 = arith.andi %ne3A_470, %ne3A_473 : i1
      %sub3A_475 = arith.constant 1 : i32
      %sub3A_476 = arith.subi %div3A_455, %sub3A_475 : i32
      %select_n3A_477 = arith.select %and3A_474, %sub3A_476, %div3A_455 : i32
      %jit3A_478 = arith.constant 8 : i32
      %eq3A_479 = arith.constant 0 : i32
      %eq3A_480 = arith.cmpi eq, %jit3A_478, %eq3A_479 : i32
      %jit3A_481 = arith.constant 1 : i32
      %select_n3A_482 = arith.select %eq3A_480, %jit3A_481, %jit3A_478 : i32
      %rem3A_483 = arith.remsi %add3A_449, %select_n3A_482 : i32
      %ne3A_484 = arith.constant 0 : i32
      %ne3A_485 = arith.cmpi ne, %rem3A_483, %ne3A_484 : i32
      %lt3A_486 = arith.constant 0 : i32
      %lt3A_487 = arith.cmpi slt, %rem3A_483, %lt3A_486 : i32
      %lt3A_488 = arith.constant 0 : i32
      %lt3A_489 = arith.cmpi slt, %select_n3A_482, %lt3A_488 : i32
      %ne3A_490 = arith.xori %lt3A_487, %lt3A_489 : i1
      %and3A_491 = arith.andi %ne3A_490, %ne3A_485 : i1
      %add3A_492 = arith.addi %rem3A_483, %select_n3A_482 : i32
      %select_n3A_493 = arith.select %and3A_491, %add3A_492, %rem3A_483 : i32
      %dma_start3A_494 = arith.constant 0 : i32
      %dma_start3A_495 = tpu.memref_slice %arg9[%select_n3A_477, %select_n3A_493, %dma_start3A_494] : memref<64x8x64xf32, #tpu.memory_space<vmem>> -> memref<1x1x64xf32, #tpu.memory_space<vmem>>
      %dma_start3A_496 = tpu.memref_squeeze %dma_start3A_495 : memref<1x1x64xf32, #tpu.memory_space<vmem>> -> memref<1x64xf32, #tpu.memory_space<vmem>>
      %dma_start3A_497 = arith.constant 0 : i32
      %dma_start3A_498 = tpu.memref_slice %arg4[%shift_right_arithmetic3A_451, %and3A_453, %dma_start3A_497] : memref<125000x8x64xf32, #tpu.memory_space<hbm>> -> memref<1x1x64xf32, #tpu.memory_space<hbm>>
      %dma_start3A_499 = tpu.memref_squeeze %dma_start3A_498 : memref<1x1x64xf32, #tpu.memory_space<hbm>> -> memref<1x64xf32, #tpu.memory_space<hbm>>
      %dma_start3A_500 = arith.constant 0 : i32
      %dma_start3A_501 = tpu.memref_slice %arg9[%select_n3A_477, %select_n3A_493, %dma_start3A_500] : memref<64x8x64xf32, #tpu.memory_space<vmem>> -> memref<1x1x64xf32, #tpu.memory_space<vmem>>
      %dma_start3A_502 = tpu.memref_squeeze %dma_start3A_501 : memref<1x1x64xf32, #tpu.memory_space<vmem>> -> memref<1x64xf32, #tpu.memory_space<vmem>>
      %dma_start3A_503 = arith.constant 0 : i32
      %dma_start3A_504 = tpu.memref_slice %arg4[%shift_right_arithmetic3A_451, %and3A_453, %dma_start3A_503] : memref<125000x8x64xf32, #tpu.memory_space<hbm>> -> memref<1x1x64xf32, #tpu.memory_space<hbm>>
      %dma_start3A_505 = tpu.memref_squeeze %dma_start3A_504 : memref<1x1x64xf32, #tpu.memory_space<hbm>> -> memref<1x64xf32, #tpu.memory_space<hbm>>
      tpu.enqueue_dma source(%dma_start3A_505 : memref<1x64xf32, #tpu.memory_space<hbm>>) target(%dma_start3A_502 : memref<1x64xf32, #tpu.memory_space<vmem>>) target_semaphore(%arg10 : memref<!tpu.dma_semaphore, #tpu.memory_space<semaphore_mem>>)
      %slice3A_506 = vector.extract_strided_slice %get3A_77 {offsets = [7], sizes = [1], strides = [1]} : vector<16xi32> to vector<1xi32>
      %squeeze3A_507 = vector.extract %slice3A_506[0] : i32 from vector<1xi32>
      %mul3A_508 = arith.constant 16 : i32
      %mul3A_509 = arith.muli %scan3A_72, %mul3A_508 : i32
      %add3A_510 = arith.constant 7 : i32
      %add3A_511 = arith.addi %mul3A_509, %add3A_510 : i32
      %shift_right_arithmetic3A_512 = arith.constant 3 : i32
      %shift_right_arithmetic3A_513 = arith.shrsi %squeeze3A_507, %shift_right_arithmetic3A_512 : i32
      %and3A_514 = arith.constant 7 : i32
      %and3A_515 = arith.andi %squeeze3A_507, %and3A_514 : i32
      %jit3A_516 = arith.constant 8 : i32
      %div3A_517 = arith.divsi %add3A_511, %jit3A_516 : i32
      %sign3A_518 = arith.constant 0 : i32
      %sign3A_519 = arith.cmpi sgt, %add3A_511, %sign3A_518 : i32
      %sign3A_520 = arith.extui %sign3A_519 : i1 to i32
      %sign3A_521 = arith.constant 0 : i32
      %sign3A_522 = arith.cmpi slt, %add3A_511, %sign3A_521 : i32
      %sign3A_523 = arith.extui %sign3A_522 : i1 to i32
      %sign3A_524 = arith.subi %sign3A_520, %sign3A_523 : i32
      %sign3A_525 = arith.constant 0 : i32
      %sign3A_526 = arith.cmpi sgt, %jit3A_516, %sign3A_525 : i32
      %sign3A_527 = arith.extui %sign3A_526 : i1 to i32
      %sign3A_528 = arith.constant 0 : i32
      %sign3A_529 = arith.cmpi slt, %jit3A_516, %sign3A_528 : i32
      %sign3A_530 = arith.extui %sign3A_529 : i1 to i32
      %sign3A_531 = arith.subi %sign3A_527, %sign3A_530 : i32
      %ne3A_532 = arith.cmpi ne, %sign3A_524, %sign3A_531 : i32
      %rem3A_533 = arith.remsi %add3A_511, %jit3A_516 : i32
      %ne3A_534 = arith.constant 0 : i32
      %ne3A_535 = arith.cmpi ne, %rem3A_533, %ne3A_534 : i32
      %and3A_536 = arith.andi %ne3A_532, %ne3A_535 : i1
      %sub3A_537 = arith.constant 1 : i32
      %sub3A_538 = arith.subi %div3A_517, %sub3A_537 : i32
      %select_n3A_539 = arith.select %and3A_536, %sub3A_538, %div3A_517 : i32
      %jit3A_540 = arith.constant 8 : i32
      %eq3A_541 = arith.constant 0 : i32
      %eq3A_542 = arith.cmpi eq, %jit3A_540, %eq3A_541 : i32
      %jit3A_543 = arith.constant 1 : i32
      %select_n3A_544 = arith.select %eq3A_542, %jit3A_543, %jit3A_540 : i32
      %rem3A_545 = arith.remsi %add3A_511, %select_n3A_544 : i32
      %ne3A_546 = arith.constant 0 : i32
      %ne3A_547 = arith.cmpi ne, %rem3A_545, %ne3A_546 : i32
      %lt3A_548 = arith.constant 0 : i32
      %lt3A_549 = arith.cmpi slt, %rem3A_545, %lt3A_548 : i32
      %lt3A_550 = arith.constant 0 : i32
      %lt3A_551 = arith.cmpi slt, %select_n3A_544, %lt3A_550 : i32
      %ne3A_552 = arith.xori %lt3A_549, %lt3A_551 : i1
      %and3A_553 = arith.andi %ne3A_552, %ne3A_547 : i1
      %add3A_554 = arith.addi %rem3A_545, %select_n3A_544 : i32
      %select_n3A_555 = arith.select %and3A_553, %add3A_554, %rem3A_545 : i32
      %dma_start3A_556 = arith.constant 0 : i32
      %dma_start3A_557 = tpu.memref_slice %arg9[%select_n3A_539, %select_n3A_555, %dma_start3A_556] : memref<64x8x64xf32, #tpu.memory_space<vmem>> -> memref<1x1x64xf32, #tpu.memory_space<vmem>>
      %dma_start3A_558 = tpu.memref_squeeze %dma_start3A_557 : memref<1x1x64xf32, #tpu.memory_space<vmem>> -> memref<1x64xf32, #tpu.memory_space<vmem>>
      %dma_start3A_559 = arith.constant 0 : i32
      %dma_start3A_560 = tpu.memref_slice %arg4[%shift_right_arithmetic3A_513, %and3A_515, %dma_start3A_559] : memref<125000x8x64xf32, #tpu.memory_space<hbm>> -> memref<1x1x64xf32, #tpu.memory_space<hbm>>
      %dma_start3A_561 = tpu.memref_squeeze %dma_start3A_560 : memref<1x1x64xf32, #tpu.memory_space<hbm>> -> memref<1x64xf32, #tpu.memory_space<hbm>>
      %dma_start3A_562 = arith.constant 0 : i32
      %dma_start3A_563 = tpu.memref_slice %arg9[%select_n3A_539, %select_n3A_555, %dma_start3A_562] : memref<64x8x64xf32, #tpu.memory_space<vmem>> -> memref<1x1x64xf32, #tpu.memory_space<vmem>>
      %dma_start3A_564 = tpu.memref_squeeze %dma_start3A_563 : memref<1x1x64xf32, #tpu.memory_space<vmem>> -> memref<1x64xf32, #tpu.memory_space<vmem>>
      %dma_start3A_565 = arith.constant 0 : i32
      %dma_start3A_566 = tpu.memref_slice %arg4[%shift_right_arithmetic3A_513, %and3A_515, %dma_start3A_565] : memref<125000x8x64xf32, #tpu.memory_space<hbm>> -> memref<1x1x64xf32, #tpu.memory_space<hbm>>
      %dma_start3A_567 = tpu.memref_squeeze %dma_start3A_566 : memref<1x1x64xf32, #tpu.memory_space<hbm>> -> memref<1x64xf32, #tpu.memory_space<hbm>>
      tpu.enqueue_dma source(%dma_start3A_567 : memref<1x64xf32, #tpu.memory_space<hbm>>) target(%dma_start3A_564 : memref<1x64xf32, #tpu.memory_space<vmem>>) target_semaphore(%arg10 : memref<!tpu.dma_semaphore, #tpu.memory_space<semaphore_mem>>)
      %slice3A_568 = vector.extract_strided_slice %get3A_77 {offsets = [8], sizes = [1], strides = [1]} : vector<16xi32> to vector<1xi32>
      %squeeze3A_569 = vector.extract %slice3A_568[0] : i32 from vector<1xi32>
      %mul3A_570 = arith.constant 16 : i32
      %mul3A_571 = arith.muli %scan3A_72, %mul3A_570 : i32
      %add3A_572 = arith.constant 8 : i32
      %add3A_573 = arith.addi %mul3A_571, %add3A_572 : i32
      %shift_right_arithmetic3A_574 = arith.constant 3 : i32
      %shift_right_arithmetic3A_575 = arith.shrsi %squeeze3A_569, %shift_right_arithmetic3A_574 : i32
      %and3A_576 = arith.constant 7 : i32
      %and3A_577 = arith.andi %squeeze3A_569, %and3A_576 : i32
      %jit3A_578 = arith.constant 8 : i32
      %div3A_579 = arith.divsi %add3A_573, %jit3A_578 : i32
      %sign3A_580 = arith.constant 0 : i32
      %sign3A_581 = arith.cmpi sgt, %add3A_573, %sign3A_580 : i32
      %sign3A_582 = arith.extui %sign3A_581 : i1 to i32
      %sign3A_583 = arith.constant 0 : i32
      %sign3A_584 = arith.cmpi slt, %add3A_573, %sign3A_583 : i32
      %sign3A_585 = arith.extui %sign3A_584 : i1 to i32
      %sign3A_586 = arith.subi %sign3A_582, %sign3A_585 : i32
      %sign3A_587 = arith.constant 0 : i32
      %sign3A_588 = arith.cmpi sgt, %jit3A_578, %sign3A_587 : i32
      %sign3A_589 = arith.extui %sign3A_588 : i1 to i32
      %sign3A_590 = arith.constant 0 : i32
      %sign3A_591 = arith.cmpi slt, %jit3A_578, %sign3A_590 : i32
      %sign3A_592 = arith.extui %sign3A_591 : i1 to i32
      %sign3A_593 = arith.subi %sign3A_589, %sign3A_592 : i32
      %ne3A_594 = arith.cmpi ne, %sign3A_586, %sign3A_593 : i32
      %rem3A_595 = arith.remsi %add3A_573, %jit3A_578 : i32
      %ne3A_596 = arith.constant 0 : i32
      %ne3A_597 = arith.cmpi ne, %rem3A_595, %ne3A_596 : i32
      %and3A_598 = arith.andi %ne3A_594, %ne3A_597 : i1
      %sub3A_599 = arith.constant 1 : i32
      %sub3A_600 = arith.subi %div3A_579, %sub3A_599 : i32
      %select_n3A_601 = arith.select %and3A_598, %sub3A_600, %div3A_579 : i32
      %jit3A_602 = arith.constant 8 : i32
      %eq3A_603 = arith.constant 0 : i32
      %eq3A_604 = arith.cmpi eq, %jit3A_602, %eq3A_603 : i32
      %jit3A_605 = arith.constant 1 : i32
      %select_n3A_606 = arith.select %eq3A_604, %jit3A_605, %jit3A_602 : i32
      %rem3A_607 = arith.remsi %add3A_573, %select_n3A_606 : i32
      %ne3A_608 = arith.constant 0 : i32
      %ne3A_609 = arith.cmpi ne, %rem3A_607, %ne3A_608 : i32
      %lt3A_610 = arith.constant 0 : i32
      %lt3A_611 = arith.cmpi slt, %rem3A_607, %lt3A_610 : i32
      %lt3A_612 = arith.constant 0 : i32
      %lt3A_613 = arith.cmpi slt, %select_n3A_606, %lt3A_612 : i32
      %ne3A_614 = arith.xori %lt3A_611, %lt3A_613 : i1
      %and3A_615 = arith.andi %ne3A_614, %ne3A_609 : i1
      %add3A_616 = arith.addi %rem3A_607, %select_n3A_606 : i32
      %select_n3A_617 = arith.select %and3A_615, %add3A_616, %rem3A_607 : i32
      %dma_start3A_618 = arith.constant 0 : i32
      %dma_start3A_619 = tpu.memref_slice %arg9[%select_n3A_601, %select_n3A_617, %dma_start3A_618] : memref<64x8x64xf32, #tpu.memory_space<vmem>> -> memref<1x1x64xf32, #tpu.memory_space<vmem>>
      %dma_start3A_620 = tpu.memref_squeeze %dma_start3A_619 : memref<1x1x64xf32, #tpu.memory_space<vmem>> -> memref<1x64xf32, #tpu.memory_space<vmem>>
      %dma_start3A_621 = arith.constant 0 : i32
      %dma_start3A_622 = tpu.memref_slice %arg4[%shift_right_arithmetic3A_575, %and3A_577, %dma_start3A_621] : memref<125000x8x64xf32, #tpu.memory_space<hbm>> -> memref<1x1x64xf32, #tpu.memory_space<hbm>>
      %dma_start3A_623 = tpu.memref_squeeze %dma_start3A_622 : memref<1x1x64xf32, #tpu.memory_space<hbm>> -> memref<1x64xf32, #tpu.memory_space<hbm>>
      %dma_start3A_624 = arith.constant 0 : i32
      %dma_start3A_625 = tpu.memref_slice %arg9[%select_n3A_601, %select_n3A_617, %dma_start3A_624] : memref<64x8x64xf32, #tpu.memory_space<vmem>> -> memref<1x1x64xf32, #tpu.memory_space<vmem>>
      %dma_start3A_626 = tpu.memref_squeeze %dma_start3A_625 : memref<1x1x64xf32, #tpu.memory_space<vmem>> -> memref<1x64xf32, #tpu.memory_space<vmem>>
      %dma_start3A_627 = arith.constant 0 : i32
      %dma_start3A_628 = tpu.memref_slice %arg4[%shift_right_arithmetic3A_575, %and3A_577, %dma_start3A_627] : memref<125000x8x64xf32, #tpu.memory_space<hbm>> -> memref<1x1x64xf32, #tpu.memory_space<hbm>>
      %dma_start3A_629 = tpu.memref_squeeze %dma_start3A_628 : memref<1x1x64xf32, #tpu.memory_space<hbm>> -> memref<1x64xf32, #tpu.memory_space<hbm>>
      tpu.enqueue_dma source(%dma_start3A_629 : memref<1x64xf32, #tpu.memory_space<hbm>>) target(%dma_start3A_626 : memref<1x64xf32, #tpu.memory_space<vmem>>) target_semaphore(%arg10 : memref<!tpu.dma_semaphore, #tpu.memory_space<semaphore_mem>>)
      %slice3A_630 = vector.extract_strided_slice %get3A_77 {offsets = [9], sizes = [1], strides = [1]} : vector<16xi32> to vector<1xi32>
      %squeeze3A_631 = vector.extract %slice3A_630[0] : i32 from vector<1xi32>
      %mul3A_632 = arith.constant 16 : i32
      %mul3A_633 = arith.muli %scan3A_72, %mul3A_632 : i32
      %add3A_634 = arith.constant 9 : i32
      %add3A_635 = arith.addi %mul3A_633, %add3A_634 : i32
      %shift_right_arithmetic3A_636 = arith.constant 3 : i32
      %shift_right_arithmetic3A_637 = arith.shrsi %squeeze3A_631, %shift_right_arithmetic3A_636 : i32
      %and3A_638 = arith.constant 7 : i32
      %and3A_639 = arith.andi %squeeze3A_631, %and3A_638 : i32
      %jit3A_640 = arith.constant 8 : i32
      %div3A_641 = arith.divsi %add3A_635, %jit3A_640 : i32
      %sign3A_642 = arith.constant 0 : i32
      %sign3A_643 = arith.cmpi sgt, %add3A_635, %sign3A_642 : i32
      %sign3A_644 = arith.extui %sign3A_643 : i1 to i32
      %sign3A_645 = arith.constant 0 : i32
      %sign3A_646 = arith.cmpi slt, %add3A_635, %sign3A_645 : i32
      %sign3A_647 = arith.extui %sign3A_646 : i1 to i32
      %sign3A_648 = arith.subi %sign3A_644, %sign3A_647 : i32
      %sign3A_649 = arith.constant 0 : i32
      %sign3A_650 = arith.cmpi sgt, %jit3A_640, %sign3A_649 : i32
      %sign3A_651 = arith.extui %sign3A_650 : i1 to i32
      %sign3A_652 = arith.constant 0 : i32
      %sign3A_653 = arith.cmpi slt, %jit3A_640, %sign3A_652 : i32
      %sign3A_654 = arith.extui %sign3A_653 : i1 to i32
      %sign3A_655 = arith.subi %sign3A_651, %sign3A_654 : i32
      %ne3A_656 = arith.cmpi ne, %sign3A_648, %sign3A_655 : i32
      %rem3A_657 = arith.remsi %add3A_635, %jit3A_640 : i32
      %ne3A_658 = arith.constant 0 : i32
      %ne3A_659 = arith.cmpi ne, %rem3A_657, %ne3A_658 : i32
      %and3A_660 = arith.andi %ne3A_656, %ne3A_659 : i1
      %sub3A_661 = arith.constant 1 : i32
      %sub3A_662 = arith.subi %div3A_641, %sub3A_661 : i32
      %select_n3A_663 = arith.select %and3A_660, %sub3A_662, %div3A_641 : i32
      %jit3A_664 = arith.constant 8 : i32
      %eq3A_665 = arith.constant 0 : i32
      %eq3A_666 = arith.cmpi eq, %jit3A_664, %eq3A_665 : i32
      %jit3A_667 = arith.constant 1 : i32
      %select_n3A_668 = arith.select %eq3A_666, %jit3A_667, %jit3A_664 : i32
      %rem3A_669 = arith.remsi %add3A_635, %select_n3A_668 : i32
      %ne3A_670 = arith.constant 0 : i32
      %ne3A_671 = arith.cmpi ne, %rem3A_669, %ne3A_670 : i32
      %lt3A_672 = arith.constant 0 : i32
      %lt3A_673 = arith.cmpi slt, %rem3A_669, %lt3A_672 : i32
      %lt3A_674 = arith.constant 0 : i32
      %lt3A_675 = arith.cmpi slt, %select_n3A_668, %lt3A_674 : i32
      %ne3A_676 = arith.xori %lt3A_673, %lt3A_675 : i1
      %and3A_677 = arith.andi %ne3A_676, %ne3A_671 : i1
      %add3A_678 = arith.addi %rem3A_669, %select_n3A_668 : i32
      %select_n3A_679 = arith.select %and3A_677, %add3A_678, %rem3A_669 : i32
      %dma_start3A_680 = arith.constant 0 : i32
      %dma_start3A_681 = tpu.memref_slice %arg9[%select_n3A_663, %select_n3A_679, %dma_start3A_680] : memref<64x8x64xf32, #tpu.memory_space<vmem>> -> memref<1x1x64xf32, #tpu.memory_space<vmem>>
      %dma_start3A_682 = tpu.memref_squeeze %dma_start3A_681 : memref<1x1x64xf32, #tpu.memory_space<vmem>> -> memref<1x64xf32, #tpu.memory_space<vmem>>
      %dma_start3A_683 = arith.constant 0 : i32
      %dma_start3A_684 = tpu.memref_slice %arg4[%shift_right_arithmetic3A_637, %and3A_639, %dma_start3A_683] : memref<125000x8x64xf32, #tpu.memory_space<hbm>> -> memref<1x1x64xf32, #tpu.memory_space<hbm>>
      %dma_start3A_685 = tpu.memref_squeeze %dma_start3A_684 : memref<1x1x64xf32, #tpu.memory_space<hbm>> -> memref<1x64xf32, #tpu.memory_space<hbm>>
      %dma_start3A_686 = arith.constant 0 : i32
      %dma_start3A_687 = tpu.memref_slice %arg9[%select_n3A_663, %select_n3A_679, %dma_start3A_686] : memref<64x8x64xf32, #tpu.memory_space<vmem>> -> memref<1x1x64xf32, #tpu.memory_space<vmem>>
      %dma_start3A_688 = tpu.memref_squeeze %dma_start3A_687 : memref<1x1x64xf32, #tpu.memory_space<vmem>> -> memref<1x64xf32, #tpu.memory_space<vmem>>
      %dma_start3A_689 = arith.constant 0 : i32
      %dma_start3A_690 = tpu.memref_slice %arg4[%shift_right_arithmetic3A_637, %and3A_639, %dma_start3A_689] : memref<125000x8x64xf32, #tpu.memory_space<hbm>> -> memref<1x1x64xf32, #tpu.memory_space<hbm>>
      %dma_start3A_691 = tpu.memref_squeeze %dma_start3A_690 : memref<1x1x64xf32, #tpu.memory_space<hbm>> -> memref<1x64xf32, #tpu.memory_space<hbm>>
      tpu.enqueue_dma source(%dma_start3A_691 : memref<1x64xf32, #tpu.memory_space<hbm>>) target(%dma_start3A_688 : memref<1x64xf32, #tpu.memory_space<vmem>>) target_semaphore(%arg10 : memref<!tpu.dma_semaphore, #tpu.memory_space<semaphore_mem>>)
      %slice3A_692 = vector.extract_strided_slice %get3A_77 {offsets = [10], sizes = [1], strides = [1]} : vector<16xi32> to vector<1xi32>
      %squeeze3A_693 = vector.extract %slice3A_692[0] : i32 from vector<1xi32>
      %mul3A_694 = arith.constant 16 : i32
      %mul3A_695 = arith.muli %scan3A_72, %mul3A_694 : i32
      %add3A_696 = arith.constant 10 : i32
      %add3A_697 = arith.addi %mul3A_695, %add3A_696 : i32
      %shift_right_arithmetic3A_698 = arith.constant 3 : i32
      %shift_right_arithmetic3A_699 = arith.shrsi %squeeze3A_693, %shift_right_arithmetic3A_698 : i32
      %and3A_700 = arith.constant 7 : i32
      %and3A_701 = arith.andi %squeeze3A_693, %and3A_700 : i32
      %jit3A_702 = arith.constant 8 : i32
      %div3A_703 = arith.divsi %add3A_697, %jit3A_702 : i32
      %sign3A_704 = arith.constant 0 : i32
      %sign3A_705 = arith.cmpi sgt, %add3A_697, %sign3A_704 : i32
      %sign3A_706 = arith.extui %sign3A_705 : i1 to i32
      %sign3A_707 = arith.constant 0 : i32
      %sign3A_708 = arith.cmpi slt, %add3A_697, %sign3A_707 : i32
      %sign3A_709 = arith.extui %sign3A_708 : i1 to i32
      %sign3A_710 = arith.subi %sign3A_706, %sign3A_709 : i32
      %sign3A_711 = arith.constant 0 : i32
      %sign3A_712 = arith.cmpi sgt, %jit3A_702, %sign3A_711 : i32
      %sign3A_713 = arith.extui %sign3A_712 : i1 to i32
      %sign3A_714 = arith.constant 0 : i32
      %sign3A_715 = arith.cmpi slt, %jit3A_702, %sign3A_714 : i32
      %sign3A_716 = arith.extui %sign3A_715 : i1 to i32
      %sign3A_717 = arith.subi %sign3A_713, %sign3A_716 : i32
      %ne3A_718 = arith.cmpi ne, %sign3A_710, %sign3A_717 : i32
      %rem3A_719 = arith.remsi %add3A_697, %jit3A_702 : i32
      %ne3A_720 = arith.constant 0 : i32
      %ne3A_721 = arith.cmpi ne, %rem3A_719, %ne3A_720 : i32
      %and3A_722 = arith.andi %ne3A_718, %ne3A_721 : i1
      %sub3A_723 = arith.constant 1 : i32
      %sub3A_724 = arith.subi %div3A_703, %sub3A_723 : i32
      %select_n3A_725 = arith.select %and3A_722, %sub3A_724, %div3A_703 : i32
      %jit3A_726 = arith.constant 8 : i32
      %eq3A_727 = arith.constant 0 : i32
      %eq3A_728 = arith.cmpi eq, %jit3A_726, %eq3A_727 : i32
      %jit3A_729 = arith.constant 1 : i32
      %select_n3A_730 = arith.select %eq3A_728, %jit3A_729, %jit3A_726 : i32
      %rem3A_731 = arith.remsi %add3A_697, %select_n3A_730 : i32
      %ne3A_732 = arith.constant 0 : i32
      %ne3A_733 = arith.cmpi ne, %rem3A_731, %ne3A_732 : i32
      %lt3A_734 = arith.constant 0 : i32
      %lt3A_735 = arith.cmpi slt, %rem3A_731, %lt3A_734 : i32
      %lt3A_736 = arith.constant 0 : i32
      %lt3A_737 = arith.cmpi slt, %select_n3A_730, %lt3A_736 : i32
      %ne3A_738 = arith.xori %lt3A_735, %lt3A_737 : i1
      %and3A_739 = arith.andi %ne3A_738, %ne3A_733 : i1
      %add3A_740 = arith.addi %rem3A_731, %select_n3A_730 : i32
      %select_n3A_741 = arith.select %and3A_739, %add3A_740, %rem3A_731 : i32
      %dma_start3A_742 = arith.constant 0 : i32
      %dma_start3A_743 = tpu.memref_slice %arg9[%select_n3A_725, %select_n3A_741, %dma_start3A_742] : memref<64x8x64xf32, #tpu.memory_space<vmem>> -> memref<1x1x64xf32, #tpu.memory_space<vmem>>
      %dma_start3A_744 = tpu.memref_squeeze %dma_start3A_743 : memref<1x1x64xf32, #tpu.memory_space<vmem>> -> memref<1x64xf32, #tpu.memory_space<vmem>>
      %dma_start3A_745 = arith.constant 0 : i32
      %dma_start3A_746 = tpu.memref_slice %arg4[%shift_right_arithmetic3A_699, %and3A_701, %dma_start3A_745] : memref<125000x8x64xf32, #tpu.memory_space<hbm>> -> memref<1x1x64xf32, #tpu.memory_space<hbm>>
      %dma_start3A_747 = tpu.memref_squeeze %dma_start3A_746 : memref<1x1x64xf32, #tpu.memory_space<hbm>> -> memref<1x64xf32, #tpu.memory_space<hbm>>
      %dma_start3A_748 = arith.constant 0 : i32
      %dma_start3A_749 = tpu.memref_slice %arg9[%select_n3A_725, %select_n3A_741, %dma_start3A_748] : memref<64x8x64xf32, #tpu.memory_space<vmem>> -> memref<1x1x64xf32, #tpu.memory_space<vmem>>
      %dma_start3A_750 = tpu.memref_squeeze %dma_start3A_749 : memref<1x1x64xf32, #tpu.memory_space<vmem>> -> memref<1x64xf32, #tpu.memory_space<vmem>>
      %dma_start3A_751 = arith.constant 0 : i32
      %dma_start3A_752 = tpu.memref_slice %arg4[%shift_right_arithmetic3A_699, %and3A_701, %dma_start3A_751] : memref<125000x8x64xf32, #tpu.memory_space<hbm>> -> memref<1x1x64xf32, #tpu.memory_space<hbm>>
      %dma_start3A_753 = tpu.memref_squeeze %dma_start3A_752 : memref<1x1x64xf32, #tpu.memory_space<hbm>> -> memref<1x64xf32, #tpu.memory_space<hbm>>
      tpu.enqueue_dma source(%dma_start3A_753 : memref<1x64xf32, #tpu.memory_space<hbm>>) target(%dma_start3A_750 : memref<1x64xf32, #tpu.memory_space<vmem>>) target_semaphore(%arg10 : memref<!tpu.dma_semaphore, #tpu.memory_space<semaphore_mem>>)
      %slice3A_754 = vector.extract_strided_slice %get3A_77 {offsets = [11], sizes = [1], strides = [1]} : vector<16xi32> to vector<1xi32>
      %squeeze3A_755 = vector.extract %slice3A_754[0] : i32 from vector<1xi32>
      %mul3A_756 = arith.constant 16 : i32
      %mul3A_757 = arith.muli %scan3A_72, %mul3A_756 : i32
      %add3A_758 = arith.constant 11 : i32
      %add3A_759 = arith.addi %mul3A_757, %add3A_758 : i32
      %shift_right_arithmetic3A_760 = arith.constant 3 : i32
      %shift_right_arithmetic3A_761 = arith.shrsi %squeeze3A_755, %shift_right_arithmetic3A_760 : i32
      %and3A_762 = arith.constant 7 : i32
      %and3A_763 = arith.andi %squeeze3A_755, %and3A_762 : i32
      %jit3A_764 = arith.constant 8 : i32
      %div3A_765 = arith.divsi %add3A_759, %jit3A_764 : i32
      %sign3A_766 = arith.constant 0 : i32
      %sign3A_767 = arith.cmpi sgt, %add3A_759, %sign3A_766 : i32
      %sign3A_768 = arith.extui %sign3A_767 : i1 to i32
      %sign3A_769 = arith.constant 0 : i32
      %sign3A_770 = arith.cmpi slt, %add3A_759, %sign3A_769 : i32
      %sign3A_771 = arith.extui %sign3A_770 : i1 to i32
      %sign3A_772 = arith.subi %sign3A_768, %sign3A_771 : i32
      %sign3A_773 = arith.constant 0 : i32
      %sign3A_774 = arith.cmpi sgt, %jit3A_764, %sign3A_773 : i32
      %sign3A_775 = arith.extui %sign3A_774 : i1 to i32
      %sign3A_776 = arith.constant 0 : i32
      %sign3A_777 = arith.cmpi slt, %jit3A_764, %sign3A_776 : i32
      %sign3A_778 = arith.extui %sign3A_777 : i1 to i32
      %sign3A_779 = arith.subi %sign3A_775, %sign3A_778 : i32
      %ne3A_780 = arith.cmpi ne, %sign3A_772, %sign3A_779 : i32
      %rem3A_781 = arith.remsi %add3A_759, %jit3A_764 : i32
      %ne3A_782 = arith.constant 0 : i32
      %ne3A_783 = arith.cmpi ne, %rem3A_781, %ne3A_782 : i32
      %and3A_784 = arith.andi %ne3A_780, %ne3A_783 : i1
      %sub3A_785 = arith.constant 1 : i32
      %sub3A_786 = arith.subi %div3A_765, %sub3A_785 : i32
      %select_n3A_787 = arith.select %and3A_784, %sub3A_786, %div3A_765 : i32
      %jit3A_788 = arith.constant 8 : i32
      %eq3A_789 = arith.constant 0 : i32
      %eq3A_790 = arith.cmpi eq, %jit3A_788, %eq3A_789 : i32
      %jit3A_791 = arith.constant 1 : i32
      %select_n3A_792 = arith.select %eq3A_790, %jit3A_791, %jit3A_788 : i32
      %rem3A_793 = arith.remsi %add3A_759, %select_n3A_792 : i32
      %ne3A_794 = arith.constant 0 : i32
      %ne3A_795 = arith.cmpi ne, %rem3A_793, %ne3A_794 : i32
      %lt3A_796 = arith.constant 0 : i32
      %lt3A_797 = arith.cmpi slt, %rem3A_793, %lt3A_796 : i32
      %lt3A_798 = arith.constant 0 : i32
      %lt3A_799 = arith.cmpi slt, %select_n3A_792, %lt3A_798 : i32
      %ne3A_800 = arith.xori %lt3A_797, %lt3A_799 : i1
      %and3A_801 = arith.andi %ne3A_800, %ne3A_795 : i1
      %add3A_802 = arith.addi %rem3A_793, %select_n3A_792 : i32
      %select_n3A_803 = arith.select %and3A_801, %add3A_802, %rem3A_793 : i32
      %dma_start3A_804 = arith.constant 0 : i32
      %dma_start3A_805 = tpu.memref_slice %arg9[%select_n3A_787, %select_n3A_803, %dma_start3A_804] : memref<64x8x64xf32, #tpu.memory_space<vmem>> -> memref<1x1x64xf32, #tpu.memory_space<vmem>>
      %dma_start3A_806 = tpu.memref_squeeze %dma_start3A_805 : memref<1x1x64xf32, #tpu.memory_space<vmem>> -> memref<1x64xf32, #tpu.memory_space<vmem>>
      %dma_start3A_807 = arith.constant 0 : i32
      %dma_start3A_808 = tpu.memref_slice %arg4[%shift_right_arithmetic3A_761, %and3A_763, %dma_start3A_807] : memref<125000x8x64xf32, #tpu.memory_space<hbm>> -> memref<1x1x64xf32, #tpu.memory_space<hbm>>
      %dma_start3A_809 = tpu.memref_squeeze %dma_start3A_808 : memref<1x1x64xf32, #tpu.memory_space<hbm>> -> memref<1x64xf32, #tpu.memory_space<hbm>>
      %dma_start3A_810 = arith.constant 0 : i32
      %dma_start3A_811 = tpu.memref_slice %arg9[%select_n3A_787, %select_n3A_803, %dma_start3A_810] : memref<64x8x64xf32, #tpu.memory_space<vmem>> -> memref<1x1x64xf32, #tpu.memory_space<vmem>>
      %dma_start3A_812 = tpu.memref_squeeze %dma_start3A_811 : memref<1x1x64xf32, #tpu.memory_space<vmem>> -> memref<1x64xf32, #tpu.memory_space<vmem>>
      %dma_start3A_813 = arith.constant 0 : i32
      %dma_start3A_814 = tpu.memref_slice %arg4[%shift_right_arithmetic3A_761, %and3A_763, %dma_start3A_813] : memref<125000x8x64xf32, #tpu.memory_space<hbm>> -> memref<1x1x64xf32, #tpu.memory_space<hbm>>
      %dma_start3A_815 = tpu.memref_squeeze %dma_start3A_814 : memref<1x1x64xf32, #tpu.memory_space<hbm>> -> memref<1x64xf32, #tpu.memory_space<hbm>>
      tpu.enqueue_dma source(%dma_start3A_815 : memref<1x64xf32, #tpu.memory_space<hbm>>) target(%dma_start3A_812 : memref<1x64xf32, #tpu.memory_space<vmem>>) target_semaphore(%arg10 : memref<!tpu.dma_semaphore, #tpu.memory_space<semaphore_mem>>)
      %slice3A_816 = vector.extract_strided_slice %get3A_77 {offsets = [12], sizes = [1], strides = [1]} : vector<16xi32> to vector<1xi32>
      %squeeze3A_817 = vector.extract %slice3A_816[0] : i32 from vector<1xi32>
      %mul3A_818 = arith.constant 16 : i32
      %mul3A_819 = arith.muli %scan3A_72, %mul3A_818 : i32
      %add3A_820 = arith.constant 12 : i32
      %add3A_821 = arith.addi %mul3A_819, %add3A_820 : i32
      %shift_right_arithmetic3A_822 = arith.constant 3 : i32
      %shift_right_arithmetic3A_823 = arith.shrsi %squeeze3A_817, %shift_right_arithmetic3A_822 : i32
      %and3A_824 = arith.constant 7 : i32
      %and3A_825 = arith.andi %squeeze3A_817, %and3A_824 : i32
      %jit3A_826 = arith.constant 8 : i32
      %div3A_827 = arith.divsi %add3A_821, %jit3A_826 : i32
      %sign3A_828 = arith.constant 0 : i32
      %sign3A_829 = arith.cmpi sgt, %add3A_821, %sign3A_828 : i32
      %sign3A_830 = arith.extui %sign3A_829 : i1 to i32
      %sign3A_831 = arith.constant 0 : i32
      %sign3A_832 = arith.cmpi slt, %add3A_821, %sign3A_831 : i32
      %sign3A_833 = arith.extui %sign3A_832 : i1 to i32
      %sign3A_834 = arith.subi %sign3A_830, %sign3A_833 : i32
      %sign3A_835 = arith.constant 0 : i32
      %sign3A_836 = arith.cmpi sgt, %jit3A_826, %sign3A_835 : i32
      %sign3A_837 = arith.extui %sign3A_836 : i1 to i32
      %sign3A_838 = arith.constant 0 : i32
      %sign3A_839 = arith.cmpi slt, %jit3A_826, %sign3A_838 : i32
      %sign3A_840 = arith.extui %sign3A_839 : i1 to i32
      %sign3A_841 = arith.subi %sign3A_837, %sign3A_840 : i32
      %ne3A_842 = arith.cmpi ne, %sign3A_834, %sign3A_841 : i32
      %rem3A_843 = arith.remsi %add3A_821, %jit3A_826 : i32
      %ne3A_844 = arith.constant 0 : i32
      %ne3A_845 = arith.cmpi ne, %rem3A_843, %ne3A_844 : i32
      %and3A_846 = arith.andi %ne3A_842, %ne3A_845 : i1
      %sub3A_847 = arith.constant 1 : i32
      %sub3A_848 = arith.subi %div3A_827, %sub3A_847 : i32
      %select_n3A_849 = arith.select %and3A_846, %sub3A_848, %div3A_827 : i32
      %jit3A_850 = arith.constant 8 : i32
      %eq3A_851 = arith.constant 0 : i32
      %eq3A_852 = arith.cmpi eq, %jit3A_850, %eq3A_851 : i32
      %jit3A_853 = arith.constant 1 : i32
      %select_n3A_854 = arith.select %eq3A_852, %jit3A_853, %jit3A_850 : i32
      %rem3A_855 = arith.remsi %add3A_821, %select_n3A_854 : i32
      %ne3A_856 = arith.constant 0 : i32
      %ne3A_857 = arith.cmpi ne, %rem3A_855, %ne3A_856 : i32
      %lt3A_858 = arith.constant 0 : i32
      %lt3A_859 = arith.cmpi slt, %rem3A_855, %lt3A_858 : i32
      %lt3A_860 = arith.constant 0 : i32
      %lt3A_861 = arith.cmpi slt, %select_n3A_854, %lt3A_860 : i32
      %ne3A_862 = arith.xori %lt3A_859, %lt3A_861 : i1
      %and3A_863 = arith.andi %ne3A_862, %ne3A_857 : i1
      %add3A_864 = arith.addi %rem3A_855, %select_n3A_854 : i32
      %select_n3A_865 = arith.select %and3A_863, %add3A_864, %rem3A_855 : i32
      %dma_start3A_866 = arith.constant 0 : i32
      %dma_start3A_867 = tpu.memref_slice %arg9[%select_n3A_849, %select_n3A_865, %dma_start3A_866] : memref<64x8x64xf32, #tpu.memory_space<vmem>> -> memref<1x1x64xf32, #tpu.memory_space<vmem>>
      %dma_start3A_868 = tpu.memref_squeeze %dma_start3A_867 : memref<1x1x64xf32, #tpu.memory_space<vmem>> -> memref<1x64xf32, #tpu.memory_space<vmem>>
      %dma_start3A_869 = arith.constant 0 : i32
      %dma_start3A_870 = tpu.memref_slice %arg4[%shift_right_arithmetic3A_823, %and3A_825, %dma_start3A_869] : memref<125000x8x64xf32, #tpu.memory_space<hbm>> -> memref<1x1x64xf32, #tpu.memory_space<hbm>>
      %dma_start3A_871 = tpu.memref_squeeze %dma_start3A_870 : memref<1x1x64xf32, #tpu.memory_space<hbm>> -> memref<1x64xf32, #tpu.memory_space<hbm>>
      %dma_start3A_872 = arith.constant 0 : i32
      %dma_start3A_873 = tpu.memref_slice %arg9[%select_n3A_849, %select_n3A_865, %dma_start3A_872] : memref<64x8x64xf32, #tpu.memory_space<vmem>> -> memref<1x1x64xf32, #tpu.memory_space<vmem>>
      %dma_start3A_874 = tpu.memref_squeeze %dma_start3A_873 : memref<1x1x64xf32, #tpu.memory_space<vmem>> -> memref<1x64xf32, #tpu.memory_space<vmem>>
      %dma_start3A_875 = arith.constant 0 : i32
      %dma_start3A_876 = tpu.memref_slice %arg4[%shift_right_arithmetic3A_823, %and3A_825, %dma_start3A_875] : memref<125000x8x64xf32, #tpu.memory_space<hbm>> -> memref<1x1x64xf32, #tpu.memory_space<hbm>>
      %dma_start3A_877 = tpu.memref_squeeze %dma_start3A_876 : memref<1x1x64xf32, #tpu.memory_space<hbm>> -> memref<1x64xf32, #tpu.memory_space<hbm>>
      tpu.enqueue_dma source(%dma_start3A_877 : memref<1x64xf32, #tpu.memory_space<hbm>>) target(%dma_start3A_874 : memref<1x64xf32, #tpu.memory_space<vmem>>) target_semaphore(%arg10 : memref<!tpu.dma_semaphore, #tpu.memory_space<semaphore_mem>>)
      %slice3A_878 = vector.extract_strided_slice %get3A_77 {offsets = [13], sizes = [1], strides = [1]} : vector<16xi32> to vector<1xi32>
      %squeeze3A_879 = vector.extract %slice3A_878[0] : i32 from vector<1xi32>
      %mul3A_880 = arith.constant 16 : i32
      %mul3A_881 = arith.muli %scan3A_72, %mul3A_880 : i32
      %add3A_882 = arith.constant 13 : i32
      %add3A_883 = arith.addi %mul3A_881, %add3A_882 : i32
      %shift_right_arithmetic3A_884 = arith.constant 3 : i32
      %shift_right_arithmetic3A_885 = arith.shrsi %squeeze3A_879, %shift_right_arithmetic3A_884 : i32
      %and3A_886 = arith.constant 7 : i32
      %and3A_887 = arith.andi %squeeze3A_879, %and3A_886 : i32
      %jit3A_888 = arith.constant 8 : i32
      %div3A_889 = arith.divsi %add3A_883, %jit3A_888 : i32
      %sign3A_890 = arith.constant 0 : i32
      %sign3A_891 = arith.cmpi sgt, %add3A_883, %sign3A_890 : i32
      %sign3A_892 = arith.extui %sign3A_891 : i1 to i32
      %sign3A_893 = arith.constant 0 : i32
      %sign3A_894 = arith.cmpi slt, %add3A_883, %sign3A_893 : i32
      %sign3A_895 = arith.extui %sign3A_894 : i1 to i32
      %sign3A_896 = arith.subi %sign3A_892, %sign3A_895 : i32
      %sign3A_897 = arith.constant 0 : i32
      %sign3A_898 = arith.cmpi sgt, %jit3A_888, %sign3A_897 : i32
      %sign3A_899 = arith.extui %sign3A_898 : i1 to i32
      %sign3A_900 = arith.constant 0 : i32
      %sign3A_901 = arith.cmpi slt, %jit3A_888, %sign3A_900 : i32
      %sign3A_902 = arith.extui %sign3A_901 : i1 to i32
      %sign3A_903 = arith.subi %sign3A_899, %sign3A_902 : i32
      %ne3A_904 = arith.cmpi ne, %sign3A_896, %sign3A_903 : i32
      %rem3A_905 = arith.remsi %add3A_883, %jit3A_888 : i32
      %ne3A_906 = arith.constant 0 : i32
      %ne3A_907 = arith.cmpi ne, %rem3A_905, %ne3A_906 : i32
      %and3A_908 = arith.andi %ne3A_904, %ne3A_907 : i1
      %sub3A_909 = arith.constant 1 : i32
      %sub3A_910 = arith.subi %div3A_889, %sub3A_909 : i32
      %select_n3A_911 = arith.select %and3A_908, %sub3A_910, %div3A_889 : i32
      %jit3A_912 = arith.constant 8 : i32
      %eq3A_913 = arith.constant 0 : i32
      %eq3A_914 = arith.cmpi eq, %jit3A_912, %eq3A_913 : i32
      %jit3A_915 = arith.constant 1 : i32
      %select_n3A_916 = arith.select %eq3A_914, %jit3A_915, %jit3A_912 : i32
      %rem3A_917 = arith.remsi %add3A_883, %select_n3A_916 : i32
      %ne3A_918 = arith.constant 0 : i32
      %ne3A_919 = arith.cmpi ne, %rem3A_917, %ne3A_918 : i32
      %lt3A_920 = arith.constant 0 : i32
      %lt3A_921 = arith.cmpi slt, %rem3A_917, %lt3A_920 : i32
      %lt3A_922 = arith.constant 0 : i32
      %lt3A_923 = arith.cmpi slt, %select_n3A_916, %lt3A_922 : i32
      %ne3A_924 = arith.xori %lt3A_921, %lt3A_923 : i1
      %and3A_925 = arith.andi %ne3A_924, %ne3A_919 : i1
      %add3A_926 = arith.addi %rem3A_917, %select_n3A_916 : i32
      %select_n3A_927 = arith.select %and3A_925, %add3A_926, %rem3A_917 : i32
      %dma_start3A_928 = arith.constant 0 : i32
      %dma_start3A_929 = tpu.memref_slice %arg9[%select_n3A_911, %select_n3A_927, %dma_start3A_928] : memref<64x8x64xf32, #tpu.memory_space<vmem>> -> memref<1x1x64xf32, #tpu.memory_space<vmem>>
      %dma_start3A_930 = tpu.memref_squeeze %dma_start3A_929 : memref<1x1x64xf32, #tpu.memory_space<vmem>> -> memref<1x64xf32, #tpu.memory_space<vmem>>
      %dma_start3A_931 = arith.constant 0 : i32
      %dma_start3A_932 = tpu.memref_slice %arg4[%shift_right_arithmetic3A_885, %and3A_887, %dma_start3A_931] : memref<125000x8x64xf32, #tpu.memory_space<hbm>> -> memref<1x1x64xf32, #tpu.memory_space<hbm>>
      %dma_start3A_933 = tpu.memref_squeeze %dma_start3A_932 : memref<1x1x64xf32, #tpu.memory_space<hbm>> -> memref<1x64xf32, #tpu.memory_space<hbm>>
      %dma_start3A_934 = arith.constant 0 : i32
      %dma_start3A_935 = tpu.memref_slice %arg9[%select_n3A_911, %select_n3A_927, %dma_start3A_934] : memref<64x8x64xf32, #tpu.memory_space<vmem>> -> memref<1x1x64xf32, #tpu.memory_space<vmem>>
      %dma_start3A_936 = tpu.memref_squeeze %dma_start3A_935 : memref<1x1x64xf32, #tpu.memory_space<vmem>> -> memref<1x64xf32, #tpu.memory_space<vmem>>
      %dma_start3A_937 = arith.constant 0 : i32
      %dma_start3A_938 = tpu.memref_slice %arg4[%shift_right_arithmetic3A_885, %and3A_887, %dma_start3A_937] : memref<125000x8x64xf32, #tpu.memory_space<hbm>> -> memref<1x1x64xf32, #tpu.memory_space<hbm>>
      %dma_start3A_939 = tpu.memref_squeeze %dma_start3A_938 : memref<1x1x64xf32, #tpu.memory_space<hbm>> -> memref<1x64xf32, #tpu.memory_space<hbm>>
      tpu.enqueue_dma source(%dma_start3A_939 : memref<1x64xf32, #tpu.memory_space<hbm>>) target(%dma_start3A_936 : memref<1x64xf32, #tpu.memory_space<vmem>>) target_semaphore(%arg10 : memref<!tpu.dma_semaphore, #tpu.memory_space<semaphore_mem>>)
      %slice3A_940 = vector.extract_strided_slice %get3A_77 {offsets = [14], sizes = [1], strides = [1]} : vector<16xi32> to vector<1xi32>
      %squeeze3A_941 = vector.extract %slice3A_940[0] : i32 from vector<1xi32>
      %mul3A_942 = arith.constant 16 : i32
      %mul3A_943 = arith.muli %scan3A_72, %mul3A_942 : i32
      %add3A_944 = arith.constant 14 : i32
      %add3A_945 = arith.addi %mul3A_943, %add3A_944 : i32
      %shift_right_arithmetic3A_946 = arith.constant 3 : i32
      %shift_right_arithmetic3A_947 = arith.shrsi %squeeze3A_941, %shift_right_arithmetic3A_946 : i32
      %and3A_948 = arith.constant 7 : i32
      %and3A_949 = arith.andi %squeeze3A_941, %and3A_948 : i32
      %jit3A_950 = arith.constant 8 : i32
      %div3A_951 = arith.divsi %add3A_945, %jit3A_950 : i32
      %sign3A_952 = arith.constant 0 : i32
      %sign3A_953 = arith.cmpi sgt, %add3A_945, %sign3A_952 : i32
      %sign3A_954 = arith.extui %sign3A_953 : i1 to i32
      %sign3A_955 = arith.constant 0 : i32
      %sign3A_956 = arith.cmpi slt, %add3A_945, %sign3A_955 : i32
      %sign3A_957 = arith.extui %sign3A_956 : i1 to i32
      %sign3A_958 = arith.subi %sign3A_954, %sign3A_957 : i32
      %sign3A_959 = arith.constant 0 : i32
      %sign3A_960 = arith.cmpi sgt, %jit3A_950, %sign3A_959 : i32
      %sign3A_961 = arith.extui %sign3A_960 : i1 to i32
      %sign3A_962 = arith.constant 0 : i32
      %sign3A_963 = arith.cmpi slt, %jit3A_950, %sign3A_962 : i32
      %sign3A_964 = arith.extui %sign3A_963 : i1 to i32
      %sign3A_965 = arith.subi %sign3A_961, %sign3A_964 : i32
      %ne3A_966 = arith.cmpi ne, %sign3A_958, %sign3A_965 : i32
      %rem3A_967 = arith.remsi %add3A_945, %jit3A_950 : i32
      %ne3A_968 = arith.constant 0 : i32
      %ne3A_969 = arith.cmpi ne, %rem3A_967, %ne3A_968 : i32
      %and3A_970 = arith.andi %ne3A_966, %ne3A_969 : i1
      %sub3A_971 = arith.constant 1 : i32
      %sub3A_972 = arith.subi %div3A_951, %sub3A_971 : i32
      %select_n3A_973 = arith.select %and3A_970, %sub3A_972, %div3A_951 : i32
      %jit3A_974 = arith.constant 8 : i32
      %eq3A_975 = arith.constant 0 : i32
      %eq3A_976 = arith.cmpi eq, %jit3A_974, %eq3A_975 : i32
      %jit3A_977 = arith.constant 1 : i32
      %select_n3A_978 = arith.select %eq3A_976, %jit3A_977, %jit3A_974 : i32
      %rem3A_979 = arith.remsi %add3A_945, %select_n3A_978 : i32
      %ne3A_980 = arith.constant 0 : i32
      %ne3A_981 = arith.cmpi ne, %rem3A_979, %ne3A_980 : i32
      %lt3A_982 = arith.constant 0 : i32
      %lt3A_983 = arith.cmpi slt, %rem3A_979, %lt3A_982 : i32
      %lt3A_984 = arith.constant 0 : i32
      %lt3A_985 = arith.cmpi slt, %select_n3A_978, %lt3A_984 : i32
      %ne3A_986 = arith.xori %lt3A_983, %lt3A_985 : i1
      %and3A_987 = arith.andi %ne3A_986, %ne3A_981 : i1
      %add3A_988 = arith.addi %rem3A_979, %select_n3A_978 : i32
      %select_n3A_989 = arith.select %and3A_987, %add3A_988, %rem3A_979 : i32
      %dma_start3A_990 = arith.constant 0 : i32
      %dma_start3A_991 = tpu.memref_slice %arg9[%select_n3A_973, %select_n3A_989, %dma_start3A_990] : memref<64x8x64xf32, #tpu.memory_space<vmem>> -> memref<1x1x64xf32, #tpu.memory_space<vmem>>
      %dma_start3A_992 = tpu.memref_squeeze %dma_start3A_991 : memref<1x1x64xf32, #tpu.memory_space<vmem>> -> memref<1x64xf32, #tpu.memory_space<vmem>>
      %dma_start3A_993 = arith.constant 0 : i32
      %dma_start3A_994 = tpu.memref_slice %arg4[%shift_right_arithmetic3A_947, %and3A_949, %dma_start3A_993] : memref<125000x8x64xf32, #tpu.memory_space<hbm>> -> memref<1x1x64xf32, #tpu.memory_space<hbm>>
      %dma_start3A_995 = tpu.memref_squeeze %dma_start3A_994 : memref<1x1x64xf32, #tpu.memory_space<hbm>> -> memref<1x64xf32, #tpu.memory_space<hbm>>
      %dma_start3A_996 = arith.constant 0 : i32
      %dma_start3A_997 = tpu.memref_slice %arg9[%select_n3A_973, %select_n3A_989, %dma_start3A_996] : memref<64x8x64xf32, #tpu.memory_space<vmem>> -> memref<1x1x64xf32, #tpu.memory_space<vmem>>
      %dma_start3A_998 = tpu.memref_squeeze %dma_start3A_997 : memref<1x1x64xf32, #tpu.memory_space<vmem>> -> memref<1x64xf32, #tpu.memory_space<vmem>>
      %dma_start3A_999 = arith.constant 0 : i32
      %dma_start3A_1000 = tpu.memref_slice %arg4[%shift_right_arithmetic3A_947, %and3A_949, %dma_start3A_999] : memref<125000x8x64xf32, #tpu.memory_space<hbm>> -> memref<1x1x64xf32, #tpu.memory_space<hbm>>
      %dma_start3A_1001 = tpu.memref_squeeze %dma_start3A_1000 : memref<1x1x64xf32, #tpu.memory_space<hbm>> -> memref<1x64xf32, #tpu.memory_space<hbm>>
      tpu.enqueue_dma source(%dma_start3A_1001 : memref<1x64xf32, #tpu.memory_space<hbm>>) target(%dma_start3A_998 : memref<1x64xf32, #tpu.memory_space<vmem>>) target_semaphore(%arg10 : memref<!tpu.dma_semaphore, #tpu.memory_space<semaphore_mem>>)
      %slice3A_1002 = vector.extract_strided_slice %get3A_77 {offsets = [15], sizes = [1], strides = [1]} : vector<16xi32> to vector<1xi32>
      %squeeze3A_1003 = vector.extract %slice3A_1002[0] : i32 from vector<1xi32>
      %mul3A_1004 = arith.constant 16 : i32
      %mul3A_1005 = arith.muli %scan3A_72, %mul3A_1004 : i32
      %add3A_1006 = arith.constant 15 : i32
      %add3A_1007 = arith.addi %mul3A_1005, %add3A_1006 : i32
      %shift_right_arithmetic3A_1008 = arith.constant 3 : i32
      %shift_right_arithmetic3A_1009 = arith.shrsi %squeeze3A_1003, %shift_right_arithmetic3A_1008 : i32
      %and3A_1010 = arith.constant 7 : i32
      %and3A_1011 = arith.andi %squeeze3A_1003, %and3A_1010 : i32
      %jit3A_1012 = arith.constant 8 : i32
      %div3A_1013 = arith.divsi %add3A_1007, %jit3A_1012 : i32
      %sign3A_1014 = arith.constant 0 : i32
      %sign3A_1015 = arith.cmpi sgt, %add3A_1007, %sign3A_1014 : i32
      %sign3A_1016 = arith.extui %sign3A_1015 : i1 to i32
      %sign3A_1017 = arith.constant 0 : i32
      %sign3A_1018 = arith.cmpi slt, %add3A_1007, %sign3A_1017 : i32
      %sign3A_1019 = arith.extui %sign3A_1018 : i1 to i32
      %sign3A_1020 = arith.subi %sign3A_1016, %sign3A_1019 : i32
      %sign3A_1021 = arith.constant 0 : i32
      %sign3A_1022 = arith.cmpi sgt, %jit3A_1012, %sign3A_1021 : i32
      %sign3A_1023 = arith.extui %sign3A_1022 : i1 to i32
      %sign3A_1024 = arith.constant 0 : i32
      %sign3A_1025 = arith.cmpi slt, %jit3A_1012, %sign3A_1024 : i32
      %sign3A_1026 = arith.extui %sign3A_1025 : i1 to i32
      %sign3A_1027 = arith.subi %sign3A_1023, %sign3A_1026 : i32
      %ne3A_1028 = arith.cmpi ne, %sign3A_1020, %sign3A_1027 : i32
      %rem3A_1029 = arith.remsi %add3A_1007, %jit3A_1012 : i32
      %ne3A_1030 = arith.constant 0 : i32
      %ne3A_1031 = arith.cmpi ne, %rem3A_1029, %ne3A_1030 : i32
      %and3A_1032 = arith.andi %ne3A_1028, %ne3A_1031 : i1
      %sub3A_1033 = arith.constant 1 : i32
      %sub3A_1034 = arith.subi %div3A_1013, %sub3A_1033 : i32
      %select_n3A_1035 = arith.select %and3A_1032, %sub3A_1034, %div3A_1013 : i32
      %jit3A_1036 = arith.constant 8 : i32
      %eq3A_1037 = arith.constant 0 : i32
      %eq3A_1038 = arith.cmpi eq, %jit3A_1036, %eq3A_1037 : i32
      %jit3A_1039 = arith.constant 1 : i32
      %select_n3A_1040 = arith.select %eq3A_1038, %jit3A_1039, %jit3A_1036 : i32
      %rem3A_1041 = arith.remsi %add3A_1007, %select_n3A_1040 : i32
      %ne3A_1042 = arith.constant 0 : i32
      %ne3A_1043 = arith.cmpi ne, %rem3A_1041, %ne3A_1042 : i32
      %lt3A_1044 = arith.constant 0 : i32
      %lt3A_1045 = arith.cmpi slt, %rem3A_1041, %lt3A_1044 : i32
      %lt3A_1046 = arith.constant 0 : i32
      %lt3A_1047 = arith.cmpi slt, %select_n3A_1040, %lt3A_1046 : i32
      %ne3A_1048 = arith.xori %lt3A_1045, %lt3A_1047 : i1
      %and3A_1049 = arith.andi %ne3A_1048, %ne3A_1043 : i1
      %add3A_1050 = arith.addi %rem3A_1041, %select_n3A_1040 : i32
      %select_n3A_1051 = arith.select %and3A_1049, %add3A_1050, %rem3A_1041 : i32
      %dma_start3A_1052 = arith.constant 0 : i32
      %dma_start3A_1053 = tpu.memref_slice %arg9[%select_n3A_1035, %select_n3A_1051, %dma_start3A_1052] : memref<64x8x64xf32, #tpu.memory_space<vmem>> -> memref<1x1x64xf32, #tpu.memory_space<vmem>>
      %dma_start3A_1054 = tpu.memref_squeeze %dma_start3A_1053 : memref<1x1x64xf32, #tpu.memory_space<vmem>> -> memref<1x64xf32, #tpu.memory_space<vmem>>
      %dma_start3A_1055 = arith.constant 0 : i32
      %dma_start3A_1056 = tpu.memref_slice %arg4[%shift_right_arithmetic3A_1009, %and3A_1011, %dma_start3A_1055] : memref<125000x8x64xf32, #tpu.memory_space<hbm>> -> memref<1x1x64xf32, #tpu.memory_space<hbm>>
      %dma_start3A_1057 = tpu.memref_squeeze %dma_start3A_1056 : memref<1x1x64xf32, #tpu.memory_space<hbm>> -> memref<1x64xf32, #tpu.memory_space<hbm>>
      %dma_start3A_1058 = arith.constant 0 : i32
      %dma_start3A_1059 = tpu.memref_slice %arg9[%select_n3A_1035, %select_n3A_1051, %dma_start3A_1058] : memref<64x8x64xf32, #tpu.memory_space<vmem>> -> memref<1x1x64xf32, #tpu.memory_space<vmem>>
      %dma_start3A_1060 = tpu.memref_squeeze %dma_start3A_1059 : memref<1x1x64xf32, #tpu.memory_space<vmem>> -> memref<1x64xf32, #tpu.memory_space<vmem>>
      %dma_start3A_1061 = arith.constant 0 : i32
      %dma_start3A_1062 = tpu.memref_slice %arg4[%shift_right_arithmetic3A_1009, %and3A_1011, %dma_start3A_1061] : memref<125000x8x64xf32, #tpu.memory_space<hbm>> -> memref<1x1x64xf32, #tpu.memory_space<hbm>>
      %dma_start3A_1063 = tpu.memref_squeeze %dma_start3A_1062 : memref<1x1x64xf32, #tpu.memory_space<hbm>> -> memref<1x64xf32, #tpu.memory_space<hbm>>
      tpu.enqueue_dma source(%dma_start3A_1063 : memref<1x64xf32, #tpu.memory_space<hbm>>) target(%dma_start3A_1060 : memref<1x64xf32, #tpu.memory_space<vmem>>) target_semaphore(%arg10 : memref<!tpu.dma_semaphore, #tpu.memory_space<semaphore_mem>>)
      %scan3A_1064 = arith.constant 0 : i32
      scf.yield %scan3A_1064 : i32
    }
    %scan3A_8 = arith.constant 32 : i32
    %dma_wait3A = arith.constant 0 : i32
    %dma_wait3A_9 = arith.constant 0 : i32
    %dma_wait3A_10 = arith.constant 0 : i32
    %dma_wait3A_11 = tpu.memref_slice %arg4[%dma_wait3A, %dma_wait3A_9, %dma_wait3A_10] : memref<125000x8x64xf32, #tpu.memory_space<hbm>> -> memref<64x8x64xf32, #tpu.memory_space<hbm>>
    %dma_wait3A_12 = arith.constant 0 : i32
    %dma_wait3A_13 = arith.constant 0 : i32
    %dma_wait3A_14 = arith.constant 0 : i32
    %dma_wait3A_15 = tpu.memref_slice %arg4[%dma_wait3A_12, %dma_wait3A_13, %dma_wait3A_14] : memref<125000x8x64xf32, #tpu.memory_space<hbm>> -> memref<64x8x64xf32, #tpu.memory_space<hbm>>
    tpu.wait_dma2 semaphore(%arg10 : memref<!tpu.dma_semaphore, #tpu.memory_space<semaphore_mem>>) src(%dma_wait3A_15 : memref<64x8x64xf32, #tpu.memory_space<hbm>>) dst(%arg9 : memref<64x8x64xf32, #tpu.memory_space<vmem>>)
    %jit3A = arith.constant 8 : i32
    %div3A = arith.divsi %mul3A_2, %jit3A : i32
    %sign3A = arith.constant 0 : i32
    %sign3A_16 = arith.cmpi sgt, %mul3A_2, %sign3A : i32
    %sign3A_17 = arith.extui %sign3A_16 : i1 to i32
    %sign3A_18 = arith.constant 0 : i32
    %sign3A_19 = arith.cmpi slt, %mul3A_2, %sign3A_18 : i32
    %sign3A_20 = arith.extui %sign3A_19 : i1 to i32
    %sign3A_21 = arith.subi %sign3A_17, %sign3A_20 : i32
    %sign3A_22 = arith.constant 0 : i32
    %sign3A_23 = arith.cmpi sgt, %jit3A, %sign3A_22 : i32
    %sign3A_24 = arith.extui %sign3A_23 : i1 to i32
    %sign3A_25 = arith.constant 0 : i32
    %sign3A_26 = arith.cmpi slt, %jit3A, %sign3A_25 : i32
    %sign3A_27 = arith.extui %sign3A_26 : i1 to i32
    %sign3A_28 = arith.subi %sign3A_24, %sign3A_27 : i32
    %ne3A = arith.cmpi ne, %sign3A_21, %sign3A_28 : i32
    %rem3A = arith.remsi %mul3A_2, %jit3A : i32
    %ne3A_29 = arith.constant 0 : i32
    %ne3A_30 = arith.cmpi ne, %rem3A, %ne3A_29 : i32
    %and3A = arith.andi %ne3A, %ne3A_30 : i1
    %sub3A = arith.constant 1 : i32
    %sub3A_31 = arith.subi %div3A, %sub3A : i32
    %select_n3A = arith.select %and3A, %sub3A_31, %div3A : i32
    %run_scoped3A = arith.constant 0 : i32
    "tpu.region"() ({
      %run_scoped3A_72 = tpu.sem_alloc : memref<!tpu.dma_semaphore, #tpu.memory_space<semaphore_mem>>
      %dma_start3A = arith.constant 0 : i32
      %dma_start3A_73 = arith.constant 0 : i32
      %dma_start3A_74 = tpu.memref_slice %arg6[%run_scoped3A, %select_n3A, %dma_start3A, %dma_start3A_73] : memref<2x2048x8x64xf32, #tpu.memory_space<hbm>> -> memref<1x64x8x64xf32, #tpu.memory_space<hbm>>
      %dma_start3A_75 = tpu.memref_squeeze %dma_start3A_74 : memref<1x64x8x64xf32, #tpu.memory_space<hbm>> -> memref<64x8x64xf32, #tpu.memory_space<hbm>>
      %dma_start3A_76 = arith.constant 0 : i32
      %dma_start3A_77 = arith.constant 0 : i32
      %dma_start3A_78 = tpu.memref_slice %arg6[%run_scoped3A, %select_n3A, %dma_start3A_76, %dma_start3A_77] : memref<2x2048x8x64xf32, #tpu.memory_space<hbm>> -> memref<1x64x8x64xf32, #tpu.memory_space<hbm>>
      %dma_start3A_79 = tpu.memref_squeeze %dma_start3A_78 : memref<1x64x8x64xf32, #tpu.memory_space<hbm>> -> memref<64x8x64xf32, #tpu.memory_space<hbm>>
      tpu.enqueue_dma source(%arg9 : memref<64x8x64xf32, #tpu.memory_space<vmem>>) target(%dma_start3A_79 : memref<64x8x64xf32, #tpu.memory_space<hbm>>) target_semaphore(%run_scoped3A_72 : memref<!tpu.dma_semaphore, #tpu.memory_space<semaphore_mem>>)
      %dma_wait3A_80 = arith.constant 0 : i32
      %dma_wait3A_81 = arith.constant 0 : i32
      %dma_wait3A_82 = tpu.memref_slice %arg6[%run_scoped3A, %select_n3A, %dma_wait3A_80, %dma_wait3A_81] : memref<2x2048x8x64xf32, #tpu.memory_space<hbm>> -> memref<1x64x8x64xf32, #tpu.memory_space<hbm>>
      %dma_wait3A_83 = tpu.memref_squeeze %dma_wait3A_82 : memref<1x64x8x64xf32, #tpu.memory_space<hbm>> -> memref<64x8x64xf32, #tpu.memory_space<hbm>>
      %dma_wait3A_84 = arith.constant 0 : i32
      %dma_wait3A_85 = arith.constant 0 : i32
      %dma_wait3A_86 = tpu.memref_slice %arg6[%run_scoped3A, %select_n3A, %dma_wait3A_84, %dma_wait3A_85] : memref<2x2048x8x64xf32, #tpu.memory_space<hbm>> -> memref<1x64x8x64xf32, #tpu.memory_space<hbm>>
      %dma_wait3A_87 = tpu.memref_squeeze %dma_wait3A_86 : memref<1x64x8x64xf32, #tpu.memory_space<hbm>> -> memref<64x8x64xf32, #tpu.memory_space<hbm>>
      tpu.wait_dma2 semaphore(%run_scoped3A_72 : memref<!tpu.dma_semaphore, #tpu.memory_space<semaphore_mem>>) src(%arg9 : memref<64x8x64xf32, #tpu.memory_space<vmem>>) dst(%dma_wait3A_87 : memref<64x8x64xf32, #tpu.memory_space<hbm>>)
      tpu.yield
    }) : () -> ()
    %scan3A_32 = arith.constant 0 : i32
    %scan3A_33 = arith.constant 0 : i32
    %scan3A_34 = arith.constant 32 : i32
    %scan3A_35 = arith.addi %scan3A_33, %scan3A_34 : i32
    %scan3A_36 = arith.constant 1 : i32
    %scan3A_37 = scf.for %scan3A_72 = %scan3A_33 to %scan3A_35 step %scan3A_36 iter_args(%scan3A_73 = %scan3A_32) -> (i32)  : i32 {
      %mul3A_74 = arith.constant 16 : i32
      %mul3A_75 = arith.muli %scan3A_72, %mul3A_74 : i32
      %get3A = arith.index_cast %mul3A_75 : i32 to index
      %get3A_76 = tpu.vector_load %arg8[%get3A] {strides = array<i32>} : memref<512xi32, #tpu.memory_space<vmem>>, vector<16xi32>,
      %get3A_77 = vector.shape_cast %get3A_76 : vector<16xi32> to vector<16xi32>
      %slice3A = vector.extract_strided_slice %get3A_77 {offsets = [0], sizes = [1], strides = [1]} : vector<16xi32> to vector<1xi32>
      %squeeze3A = vector.extract %slice3A[0] : i32 from vector<1xi32>
      %mul3A_78 = arith.constant 16 : i32
      %mul3A_79 = arith.muli %scan3A_72, %mul3A_78 : i32
      %add3A_80 = arith.constant 0 : i32
      %add3A_81 = arith.addi %mul3A_79, %add3A_80 : i32
      %shift_right_arithmetic3A = arith.constant 3 : i32
      %shift_right_arithmetic3A_82 = arith.shrsi %squeeze3A, %shift_right_arithmetic3A : i32
      %and3A_83 = arith.constant 7 : i32
      %and3A_84 = arith.andi %squeeze3A, %and3A_83 : i32
      %jit3A_85 = arith.constant 8 : i32
      %div3A_86 = arith.divsi %add3A_81, %jit3A_85 : i32
      %sign3A_87 = arith.constant 0 : i32
      %sign3A_88 = arith.cmpi sgt, %add3A_81, %sign3A_87 : i32
      %sign3A_89 = arith.extui %sign3A_88 : i1 to i32
      %sign3A_90 = arith.constant 0 : i32
      %sign3A_91 = arith.cmpi slt, %add3A_81, %sign3A_90 : i32
      %sign3A_92 = arith.extui %sign3A_91 : i1 to i32
      %sign3A_93 = arith.subi %sign3A_89, %sign3A_92 : i32
      %sign3A_94 = arith.constant 0 : i32
      %sign3A_95 = arith.cmpi sgt, %jit3A_85, %sign3A_94 : i32
      %sign3A_96 = arith.extui %sign3A_95 : i1 to i32
      %sign3A_97 = arith.constant 0 : i32
      %sign3A_98 = arith.cmpi slt, %jit3A_85, %sign3A_97 : i32
      %sign3A_99 = arith.extui %sign3A_98 : i1 to i32
      %sign3A_100 = arith.subi %sign3A_96, %sign3A_99 : i32
      %ne3A_101 = arith.cmpi ne, %sign3A_93, %sign3A_100 : i32
      %rem3A_102 = arith.remsi %add3A_81, %jit3A_85 : i32
      %ne3A_103 = arith.constant 0 : i32
      %ne3A_104 = arith.cmpi ne, %rem3A_102, %ne3A_103 : i32
      %and3A_105 = arith.andi %ne3A_101, %ne3A_104 : i1
      %sub3A_106 = arith.constant 1 : i32
      %sub3A_107 = arith.subi %div3A_86, %sub3A_106 : i32
      %select_n3A_108 = arith.select %and3A_105, %sub3A_107, %div3A_86 : i32
      %jit3A_109 = arith.constant 8 : i32
      %eq3A = arith.constant 0 : i32
      %eq3A_110 = arith.cmpi eq, %jit3A_109, %eq3A : i32
      %jit3A_111 = arith.constant 1 : i32
      %select_n3A_112 = arith.select %eq3A_110, %jit3A_111, %jit3A_109 : i32
      %rem3A_113 = arith.remsi %add3A_81, %select_n3A_112 : i32
      %ne3A_114 = arith.constant 0 : i32
      %ne3A_115 = arith.cmpi ne, %rem3A_113, %ne3A_114 : i32
      %lt3A = arith.constant 0 : i32
      %lt3A_116 = arith.cmpi slt, %rem3A_113, %lt3A : i32
      %lt3A_117 = arith.constant 0 : i32
      %lt3A_118 = arith.cmpi slt, %select_n3A_112, %lt3A_117 : i32
      %ne3A_119 = arith.xori %lt3A_116, %lt3A_118 : i1
      %and3A_120 = arith.andi %ne3A_119, %ne3A_115 : i1
      %add3A_121 = arith.addi %rem3A_113, %select_n3A_112 : i32
      %select_n3A_122 = arith.select %and3A_120, %add3A_121, %rem3A_113 : i32
      %dma_start3A = arith.constant 0 : i32
      %dma_start3A_123 = tpu.memref_slice %arg9[%select_n3A_108, %select_n3A_122, %dma_start3A] : memref<64x8x64xf32, #tpu.memory_space<vmem>> -> memref<1x1x64xf32, #tpu.memory_space<vmem>>
      %dma_start3A_124 = tpu.memref_squeeze %dma_start3A_123 : memref<1x1x64xf32, #tpu.memory_space<vmem>> -> memref<1x64xf32, #tpu.memory_space<vmem>>
      %dma_start3A_125 = arith.constant 0 : i32
      %dma_start3A_126 = tpu.memref_slice %arg5[%shift_right_arithmetic3A_82, %and3A_84, %dma_start3A_125] : memref<125000x8x64xf32, #tpu.memory_space<hbm>> -> memref<1x1x64xf32, #tpu.memory_space<hbm>>
      %dma_start3A_127 = tpu.memref_squeeze %dma_start3A_126 : memref<1x1x64xf32, #tpu.memory_space<hbm>> -> memref<1x64xf32, #tpu.memory_space<hbm>>
      %dma_start3A_128 = arith.constant 0 : i32
      %dma_start3A_129 = tpu.memref_slice %arg9[%select_n3A_108, %select_n3A_122, %dma_start3A_128] : memref<64x8x64xf32, #tpu.memory_space<vmem>> -> memref<1x1x64xf32, #tpu.memory_space<vmem>>
      %dma_start3A_130 = tpu.memref_squeeze %dma_start3A_129 : memref<1x1x64xf32, #tpu.memory_space<vmem>> -> memref<1x64xf32, #tpu.memory_space<vmem>>
      %dma_start3A_131 = arith.constant 0 : i32
      %dma_start3A_132 = tpu.memref_slice %arg5[%shift_right_arithmetic3A_82, %and3A_84, %dma_start3A_131] : memref<125000x8x64xf32, #tpu.memory_space<hbm>> -> memref<1x1x64xf32, #tpu.memory_space<hbm>>
      %dma_start3A_133 = tpu.memref_squeeze %dma_start3A_132 : memref<1x1x64xf32, #tpu.memory_space<hbm>> -> memref<1x64xf32, #tpu.memory_space<hbm>>
      tpu.enqueue_dma source(%dma_start3A_133 : memref<1x64xf32, #tpu.memory_space<hbm>>) target(%dma_start3A_130 : memref<1x64xf32, #tpu.memory_space<vmem>>) target_semaphore(%arg10 : memref<!tpu.dma_semaphore, #tpu.memory_space<semaphore_mem>>)
      %slice3A_134 = vector.extract_strided_slice %get3A_77 {offsets = [1], sizes = [1], strides = [1]} : vector<16xi32> to vector<1xi32>
      %squeeze3A_135 = vector.extract %slice3A_134[0] : i32 from vector<1xi32>
      %mul3A_136 = arith.constant 16 : i32
      %mul3A_137 = arith.muli %scan3A_72, %mul3A_136 : i32
      %add3A_138 = arith.constant 1 : i32
      %add3A_139 = arith.addi %mul3A_137, %add3A_138 : i32
      %shift_right_arithmetic3A_140 = arith.constant 3 : i32
      %shift_right_arithmetic3A_141 = arith.shrsi %squeeze3A_135, %shift_right_arithmetic3A_140 : i32
      %and3A_142 = arith.constant 7 : i32
      %and3A_143 = arith.andi %squeeze3A_135, %and3A_142 : i32
      %jit3A_144 = arith.constant 8 : i32
      %div3A_145 = arith.divsi %add3A_139, %jit3A_144 : i32
      %sign3A_146 = arith.constant 0 : i32
      %sign3A_147 = arith.cmpi sgt, %add3A_139, %sign3A_146 : i32
      %sign3A_148 = arith.extui %sign3A_147 : i1 to i32
      %sign3A_149 = arith.constant 0 : i32
      %sign3A_150 = arith.cmpi slt, %add3A_139, %sign3A_149 : i32
      %sign3A_151 = arith.extui %sign3A_150 : i1 to i32
      %sign3A_152 = arith.subi %sign3A_148, %sign3A_151 : i32
      %sign3A_153 = arith.constant 0 : i32
      %sign3A_154 = arith.cmpi sgt, %jit3A_144, %sign3A_153 : i32
      %sign3A_155 = arith.extui %sign3A_154 : i1 to i32
      %sign3A_156 = arith.constant 0 : i32
      %sign3A_157 = arith.cmpi slt, %jit3A_144, %sign3A_156 : i32
      %sign3A_158 = arith.extui %sign3A_157 : i1 to i32
      %sign3A_159 = arith.subi %sign3A_155, %sign3A_158 : i32
      %ne3A_160 = arith.cmpi ne, %sign3A_152, %sign3A_159 : i32
      %rem3A_161 = arith.remsi %add3A_139, %jit3A_144 : i32
      %ne3A_162 = arith.constant 0 : i32
      %ne3A_163 = arith.cmpi ne, %rem3A_161, %ne3A_162 : i32
      %and3A_164 = arith.andi %ne3A_160, %ne3A_163 : i1
      %sub3A_165 = arith.constant 1 : i32
      %sub3A_166 = arith.subi %div3A_145, %sub3A_165 : i32
      %select_n3A_167 = arith.select %and3A_164, %sub3A_166, %div3A_145 : i32
      %jit3A_168 = arith.constant 8 : i32
      %eq3A_169 = arith.constant 0 : i32
      %eq3A_170 = arith.cmpi eq, %jit3A_168, %eq3A_169 : i32
      %jit3A_171 = arith.constant 1 : i32
      %select_n3A_172 = arith.select %eq3A_170, %jit3A_171, %jit3A_168 : i32
      %rem3A_173 = arith.remsi %add3A_139, %select_n3A_172 : i32
      %ne3A_174 = arith.constant 0 : i32
      %ne3A_175 = arith.cmpi ne, %rem3A_173, %ne3A_174 : i32
      %lt3A_176 = arith.constant 0 : i32
      %lt3A_177 = arith.cmpi slt, %rem3A_173, %lt3A_176 : i32
      %lt3A_178 = arith.constant 0 : i32
      %lt3A_179 = arith.cmpi slt, %select_n3A_172, %lt3A_178 : i32
      %ne3A_180 = arith.xori %lt3A_177, %lt3A_179 : i1
      %and3A_181 = arith.andi %ne3A_180, %ne3A_175 : i1
      %add3A_182 = arith.addi %rem3A_173, %select_n3A_172 : i32
      %select_n3A_183 = arith.select %and3A_181, %add3A_182, %rem3A_173 : i32
      %dma_start3A_184 = arith.constant 0 : i32
      %dma_start3A_185 = tpu.memref_slice %arg9[%select_n3A_167, %select_n3A_183, %dma_start3A_184] : memref<64x8x64xf32, #tpu.memory_space<vmem>> -> memref<1x1x64xf32, #tpu.memory_space<vmem>>
      %dma_start3A_186 = tpu.memref_squeeze %dma_start3A_185 : memref<1x1x64xf32, #tpu.memory_space<vmem>> -> memref<1x64xf32, #tpu.memory_space<vmem>>
      %dma_start3A_187 = arith.constant 0 : i32
      %dma_start3A_188 = tpu.memref_slice %arg5[%shift_right_arithmetic3A_141, %and3A_143, %dma_start3A_187] : memref<125000x8x64xf32, #tpu.memory_space<hbm>> -> memref<1x1x64xf32, #tpu.memory_space<hbm>>
      %dma_start3A_189 = tpu.memref_squeeze %dma_start3A_188 : memref<1x1x64xf32, #tpu.memory_space<hbm>> -> memref<1x64xf32, #tpu.memory_space<hbm>>
      %dma_start3A_190 = arith.constant 0 : i32
      %dma_start3A_191 = tpu.memref_slice %arg9[%select_n3A_167, %select_n3A_183, %dma_start3A_190] : memref<64x8x64xf32, #tpu.memory_space<vmem>> -> memref<1x1x64xf32, #tpu.memory_space<vmem>>
      %dma_start3A_192 = tpu.memref_squeeze %dma_start3A_191 : memref<1x1x64xf32, #tpu.memory_space<vmem>> -> memref<1x64xf32, #tpu.memory_space<vmem>>
      %dma_start3A_193 = arith.constant 0 : i32
      %dma_start3A_194 = tpu.memref_slice %arg5[%shift_right_arithmetic3A_141, %and3A_143, %dma_start3A_193] : memref<125000x8x64xf32, #tpu.memory_space<hbm>> -> memref<1x1x64xf32, #tpu.memory_space<hbm>>
      %dma_start3A_195 = tpu.memref_squeeze %dma_start3A_194 : memref<1x1x64xf32, #tpu.memory_space<hbm>> -> memref<1x64xf32, #tpu.memory_space<hbm>>
      tpu.enqueue_dma source(%dma_start3A_195 : memref<1x64xf32, #tpu.memory_space<hbm>>) target(%dma_start3A_192 : memref<1x64xf32, #tpu.memory_space<vmem>>) target_semaphore(%arg10 : memref<!tpu.dma_semaphore, #tpu.memory_space<semaphore_mem>>)
      %slice3A_196 = vector.extract_strided_slice %get3A_77 {offsets = [2], sizes = [1], strides = [1]} : vector<16xi32> to vector<1xi32>
      %squeeze3A_197 = vector.extract %slice3A_196[0] : i32 from vector<1xi32>
      %mul3A_198 = arith.constant 16 : i32
      %mul3A_199 = arith.muli %scan3A_72, %mul3A_198 : i32
      %add3A_200 = arith.constant 2 : i32
      %add3A_201 = arith.addi %mul3A_199, %add3A_200 : i32
      %shift_right_arithmetic3A_202 = arith.constant 3 : i32
      %shift_right_arithmetic3A_203 = arith.shrsi %squeeze3A_197, %shift_right_arithmetic3A_202 : i32
      %and3A_204 = arith.constant 7 : i32
      %and3A_205 = arith.andi %squeeze3A_197, %and3A_204 : i32
      %jit3A_206 = arith.constant 8 : i32
      %div3A_207 = arith.divsi %add3A_201, %jit3A_206 : i32
      %sign3A_208 = arith.constant 0 : i32
      %sign3A_209 = arith.cmpi sgt, %add3A_201, %sign3A_208 : i32
      %sign3A_210 = arith.extui %sign3A_209 : i1 to i32
      %sign3A_211 = arith.constant 0 : i32
      %sign3A_212 = arith.cmpi slt, %add3A_201, %sign3A_211 : i32
      %sign3A_213 = arith.extui %sign3A_212 : i1 to i32
      %sign3A_214 = arith.subi %sign3A_210, %sign3A_213 : i32
      %sign3A_215 = arith.constant 0 : i32
      %sign3A_216 = arith.cmpi sgt, %jit3A_206, %sign3A_215 : i32
      %sign3A_217 = arith.extui %sign3A_216 : i1 to i32
      %sign3A_218 = arith.constant 0 : i32
      %sign3A_219 = arith.cmpi slt, %jit3A_206, %sign3A_218 : i32
      %sign3A_220 = arith.extui %sign3A_219 : i1 to i32
      %sign3A_221 = arith.subi %sign3A_217, %sign3A_220 : i32
      %ne3A_222 = arith.cmpi ne, %sign3A_214, %sign3A_221 : i32
      %rem3A_223 = arith.remsi %add3A_201, %jit3A_206 : i32
      %ne3A_224 = arith.constant 0 : i32
      %ne3A_225 = arith.cmpi ne, %rem3A_223, %ne3A_224 : i32
      %and3A_226 = arith.andi %ne3A_222, %ne3A_225 : i1
      %sub3A_227 = arith.constant 1 : i32
      %sub3A_228 = arith.subi %div3A_207, %sub3A_227 : i32
      %select_n3A_229 = arith.select %and3A_226, %sub3A_228, %div3A_207 : i32
      %jit3A_230 = arith.constant 8 : i32
      %eq3A_231 = arith.constant 0 : i32
      %eq3A_232 = arith.cmpi eq, %jit3A_230, %eq3A_231 : i32
      %jit3A_233 = arith.constant 1 : i32
      %select_n3A_234 = arith.select %eq3A_232, %jit3A_233, %jit3A_230 : i32
      %rem3A_235 = arith.remsi %add3A_201, %select_n3A_234 : i32
      %ne3A_236 = arith.constant 0 : i32
      %ne3A_237 = arith.cmpi ne, %rem3A_235, %ne3A_236 : i32
      %lt3A_238 = arith.constant 0 : i32
      %lt3A_239 = arith.cmpi slt, %rem3A_235, %lt3A_238 : i32
      %lt3A_240 = arith.constant 0 : i32
      %lt3A_241 = arith.cmpi slt, %select_n3A_234, %lt3A_240 : i32
      %ne3A_242 = arith.xori %lt3A_239, %lt3A_241 : i1
      %and3A_243 = arith.andi %ne3A_242, %ne3A_237 : i1
      %add3A_244 = arith.addi %rem3A_235, %select_n3A_234 : i32
      %select_n3A_245 = arith.select %and3A_243, %add3A_244, %rem3A_235 : i32
      %dma_start3A_246 = arith.constant 0 : i32
      %dma_start3A_247 = tpu.memref_slice %arg9[%select_n3A_229, %select_n3A_245, %dma_start3A_246] : memref<64x8x64xf32, #tpu.memory_space<vmem>> -> memref<1x1x64xf32, #tpu.memory_space<vmem>>
      %dma_start3A_248 = tpu.memref_squeeze %dma_start3A_247 : memref<1x1x64xf32, #tpu.memory_space<vmem>> -> memref<1x64xf32, #tpu.memory_space<vmem>>
      %dma_start3A_249 = arith.constant 0 : i32
      %dma_start3A_250 = tpu.memref_slice %arg5[%shift_right_arithmetic3A_203, %and3A_205, %dma_start3A_249] : memref<125000x8x64xf32, #tpu.memory_space<hbm>> -> memref<1x1x64xf32, #tpu.memory_space<hbm>>
      %dma_start3A_251 = tpu.memref_squeeze %dma_start3A_250 : memref<1x1x64xf32, #tpu.memory_space<hbm>> -> memref<1x64xf32, #tpu.memory_space<hbm>>
      %dma_start3A_252 = arith.constant 0 : i32
      %dma_start3A_253 = tpu.memref_slice %arg9[%select_n3A_229, %select_n3A_245, %dma_start3A_252] : memref<64x8x64xf32, #tpu.memory_space<vmem>> -> memref<1x1x64xf32, #tpu.memory_space<vmem>>
      %dma_start3A_254 = tpu.memref_squeeze %dma_start3A_253 : memref<1x1x64xf32, #tpu.memory_space<vmem>> -> memref<1x64xf32, #tpu.memory_space<vmem>>
      %dma_start3A_255 = arith.constant 0 : i32
      %dma_start3A_256 = tpu.memref_slice %arg5[%shift_right_arithmetic3A_203, %and3A_205, %dma_start3A_255] : memref<125000x8x64xf32, #tpu.memory_space<hbm>> -> memref<1x1x64xf32, #tpu.memory_space<hbm>>
      %dma_start3A_257 = tpu.memref_squeeze %dma_start3A_256 : memref<1x1x64xf32, #tpu.memory_space<hbm>> -> memref<1x64xf32, #tpu.memory_space<hbm>>
      tpu.enqueue_dma source(%dma_start3A_257 : memref<1x64xf32, #tpu.memory_space<hbm>>) target(%dma_start3A_254 : memref<1x64xf32, #tpu.memory_space<vmem>>) target_semaphore(%arg10 : memref<!tpu.dma_semaphore, #tpu.memory_space<semaphore_mem>>)
      %slice3A_258 = vector.extract_strided_slice %get3A_77 {offsets = [3], sizes = [1], strides = [1]} : vector<16xi32> to vector<1xi32>
      %squeeze3A_259 = vector.extract %slice3A_258[0] : i32 from vector<1xi32>
      %mul3A_260 = arith.constant 16 : i32
      %mul3A_261 = arith.muli %scan3A_72, %mul3A_260 : i32
      %add3A_262 = arith.constant 3 : i32
      %add3A_263 = arith.addi %mul3A_261, %add3A_262 : i32
      %shift_right_arithmetic3A_264 = arith.constant 3 : i32
      %shift_right_arithmetic3A_265 = arith.shrsi %squeeze3A_259, %shift_right_arithmetic3A_264 : i32
      %and3A_266 = arith.constant 7 : i32
      %and3A_267 = arith.andi %squeeze3A_259, %and3A_266 : i32
      %jit3A_268 = arith.constant 8 : i32
      %div3A_269 = arith.divsi %add3A_263, %jit3A_268 : i32
      %sign3A_270 = arith.constant 0 : i32
      %sign3A_271 = arith.cmpi sgt, %add3A_263, %sign3A_270 : i32
      %sign3A_272 = arith.extui %sign3A_271 : i1 to i32
      %sign3A_273 = arith.constant 0 : i32
      %sign3A_274 = arith.cmpi slt, %add3A_263, %sign3A_273 : i32
      %sign3A_275 = arith.extui %sign3A_274 : i1 to i32
      %sign3A_276 = arith.subi %sign3A_272, %sign3A_275 : i32
      %sign3A_277 = arith.constant 0 : i32
      %sign3A_278 = arith.cmpi sgt, %jit3A_268, %sign3A_277 : i32
      %sign3A_279 = arith.extui %sign3A_278 : i1 to i32
      %sign3A_280 = arith.constant 0 : i32
      %sign3A_281 = arith.cmpi slt, %jit3A_268, %sign3A_280 : i32
      %sign3A_282 = arith.extui %sign3A_281 : i1 to i32
      %sign3A_283 = arith.subi %sign3A_279, %sign3A_282 : i32
      %ne3A_284 = arith.cmpi ne, %sign3A_276, %sign3A_283 : i32
      %rem3A_285 = arith.remsi %add3A_263, %jit3A_268 : i32
      %ne3A_286 = arith.constant 0 : i32
      %ne3A_287 = arith.cmpi ne, %rem3A_285, %ne3A_286 : i32
      %and3A_288 = arith.andi %ne3A_284, %ne3A_287 : i1
      %sub3A_289 = arith.constant 1 : i32
      %sub3A_290 = arith.subi %div3A_269, %sub3A_289 : i32
      %select_n3A_291 = arith.select %and3A_288, %sub3A_290, %div3A_269 : i32
      %jit3A_292 = arith.constant 8 : i32
      %eq3A_293 = arith.constant 0 : i32
      %eq3A_294 = arith.cmpi eq, %jit3A_292, %eq3A_293 : i32
      %jit3A_295 = arith.constant 1 : i32
      %select_n3A_296 = arith.select %eq3A_294, %jit3A_295, %jit3A_292 : i32
      %rem3A_297 = arith.remsi %add3A_263, %select_n3A_296 : i32
      %ne3A_298 = arith.constant 0 : i32
      %ne3A_299 = arith.cmpi ne, %rem3A_297, %ne3A_298 : i32
      %lt3A_300 = arith.constant 0 : i32
      %lt3A_301 = arith.cmpi slt, %rem3A_297, %lt3A_300 : i32
      %lt3A_302 = arith.constant 0 : i32
      %lt3A_303 = arith.cmpi slt, %select_n3A_296, %lt3A_302 : i32
      %ne3A_304 = arith.xori %lt3A_301, %lt3A_303 : i1
      %and3A_305 = arith.andi %ne3A_304, %ne3A_299 : i1
      %add3A_306 = arith.addi %rem3A_297, %select_n3A_296 : i32
      %select_n3A_307 = arith.select %and3A_305, %add3A_306, %rem3A_297 : i32
      %dma_start3A_308 = arith.constant 0 : i32
      %dma_start3A_309 = tpu.memref_slice %arg9[%select_n3A_291, %select_n3A_307, %dma_start3A_308] : memref<64x8x64xf32, #tpu.memory_space<vmem>> -> memref<1x1x64xf32, #tpu.memory_space<vmem>>
      %dma_start3A_310 = tpu.memref_squeeze %dma_start3A_309 : memref<1x1x64xf32, #tpu.memory_space<vmem>> -> memref<1x64xf32, #tpu.memory_space<vmem>>
      %dma_start3A_311 = arith.constant 0 : i32
      %dma_start3A_312 = tpu.memref_slice %arg5[%shift_right_arithmetic3A_265, %and3A_267, %dma_start3A_311] : memref<125000x8x64xf32, #tpu.memory_space<hbm>> -> memref<1x1x64xf32, #tpu.memory_space<hbm>>
      %dma_start3A_313 = tpu.memref_squeeze %dma_start3A_312 : memref<1x1x64xf32, #tpu.memory_space<hbm>> -> memref<1x64xf32, #tpu.memory_space<hbm>>
      %dma_start3A_314 = arith.constant 0 : i32
      %dma_start3A_315 = tpu.memref_slice %arg9[%select_n3A_291, %select_n3A_307, %dma_start3A_314] : memref<64x8x64xf32, #tpu.memory_space<vmem>> -> memref<1x1x64xf32, #tpu.memory_space<vmem>>
      %dma_start3A_316 = tpu.memref_squeeze %dma_start3A_315 : memref<1x1x64xf32, #tpu.memory_space<vmem>> -> memref<1x64xf32, #tpu.memory_space<vmem>>
      %dma_start3A_317 = arith.constant 0 : i32
      %dma_start3A_318 = tpu.memref_slice %arg5[%shift_right_arithmetic3A_265, %and3A_267, %dma_start3A_317] : memref<125000x8x64xf32, #tpu.memory_space<hbm>> -> memref<1x1x64xf32, #tpu.memory_space<hbm>>
      %dma_start3A_319 = tpu.memref_squeeze %dma_start3A_318 : memref<1x1x64xf32, #tpu.memory_space<hbm>> -> memref<1x64xf32, #tpu.memory_space<hbm>>
      tpu.enqueue_dma source(%dma_start3A_319 : memref<1x64xf32, #tpu.memory_space<hbm>>) target(%dma_start3A_316 : memref<1x64xf32, #tpu.memory_space<vmem>>) target_semaphore(%arg10 : memref<!tpu.dma_semaphore, #tpu.memory_space<semaphore_mem>>)
      %slice3A_320 = vector.extract_strided_slice %get3A_77 {offsets = [4], sizes = [1], strides = [1]} : vector<16xi32> to vector<1xi32>
      %squeeze3A_321 = vector.extract %slice3A_320[0] : i32 from vector<1xi32>
      %mul3A_322 = arith.constant 16 : i32
      %mul3A_323 = arith.muli %scan3A_72, %mul3A_322 : i32
      %add3A_324 = arith.constant 4 : i32
      %add3A_325 = arith.addi %mul3A_323, %add3A_324 : i32
      %shift_right_arithmetic3A_326 = arith.constant 3 : i32
      %shift_right_arithmetic3A_327 = arith.shrsi %squeeze3A_321, %shift_right_arithmetic3A_326 : i32
      %and3A_328 = arith.constant 7 : i32
      %and3A_329 = arith.andi %squeeze3A_321, %and3A_328 : i32
      %jit3A_330 = arith.constant 8 : i32
      %div3A_331 = arith.divsi %add3A_325, %jit3A_330 : i32
      %sign3A_332 = arith.constant 0 : i32
      %sign3A_333 = arith.cmpi sgt, %add3A_325, %sign3A_332 : i32
      %sign3A_334 = arith.extui %sign3A_333 : i1 to i32
      %sign3A_335 = arith.constant 0 : i32
      %sign3A_336 = arith.cmpi slt, %add3A_325, %sign3A_335 : i32
      %sign3A_337 = arith.extui %sign3A_336 : i1 to i32
      %sign3A_338 = arith.subi %sign3A_334, %sign3A_337 : i32
      %sign3A_339 = arith.constant 0 : i32
      %sign3A_340 = arith.cmpi sgt, %jit3A_330, %sign3A_339 : i32
      %sign3A_341 = arith.extui %sign3A_340 : i1 to i32
      %sign3A_342 = arith.constant 0 : i32
      %sign3A_343 = arith.cmpi slt, %jit3A_330, %sign3A_342 : i32
      %sign3A_344 = arith.extui %sign3A_343 : i1 to i32
      %sign3A_345 = arith.subi %sign3A_341, %sign3A_344 : i32
      %ne3A_346 = arith.cmpi ne, %sign3A_338, %sign3A_345 : i32
      %rem3A_347 = arith.remsi %add3A_325, %jit3A_330 : i32
      %ne3A_348 = arith.constant 0 : i32
      %ne3A_349 = arith.cmpi ne, %rem3A_347, %ne3A_348 : i32
      %and3A_350 = arith.andi %ne3A_346, %ne3A_349 : i1
      %sub3A_351 = arith.constant 1 : i32
      %sub3A_352 = arith.subi %div3A_331, %sub3A_351 : i32
      %select_n3A_353 = arith.select %and3A_350, %sub3A_352, %div3A_331 : i32
      %jit3A_354 = arith.constant 8 : i32
      %eq3A_355 = arith.constant 0 : i32
      %eq3A_356 = arith.cmpi eq, %jit3A_354, %eq3A_355 : i32
      %jit3A_357 = arith.constant 1 : i32
      %select_n3A_358 = arith.select %eq3A_356, %jit3A_357, %jit3A_354 : i32
      %rem3A_359 = arith.remsi %add3A_325, %select_n3A_358 : i32
      %ne3A_360 = arith.constant 0 : i32
      %ne3A_361 = arith.cmpi ne, %rem3A_359, %ne3A_360 : i32
      %lt3A_362 = arith.constant 0 : i32
      %lt3A_363 = arith.cmpi slt, %rem3A_359, %lt3A_362 : i32
      %lt3A_364 = arith.constant 0 : i32
      %lt3A_365 = arith.cmpi slt, %select_n3A_358, %lt3A_364 : i32
      %ne3A_366 = arith.xori %lt3A_363, %lt3A_365 : i1
      %and3A_367 = arith.andi %ne3A_366, %ne3A_361 : i1
      %add3A_368 = arith.addi %rem3A_359, %select_n3A_358 : i32
      %select_n3A_369 = arith.select %and3A_367, %add3A_368, %rem3A_359 : i32
      %dma_start3A_370 = arith.constant 0 : i32
      %dma_start3A_371 = tpu.memref_slice %arg9[%select_n3A_353, %select_n3A_369, %dma_start3A_370] : memref<64x8x64xf32, #tpu.memory_space<vmem>> -> memref<1x1x64xf32, #tpu.memory_space<vmem>>
      %dma_start3A_372 = tpu.memref_squeeze %dma_start3A_371 : memref<1x1x64xf32, #tpu.memory_space<vmem>> -> memref<1x64xf32, #tpu.memory_space<vmem>>
      %dma_start3A_373 = arith.constant 0 : i32
      %dma_start3A_374 = tpu.memref_slice %arg5[%shift_right_arithmetic3A_327, %and3A_329, %dma_start3A_373] : memref<125000x8x64xf32, #tpu.memory_space<hbm>> -> memref<1x1x64xf32, #tpu.memory_space<hbm>>
      %dma_start3A_375 = tpu.memref_squeeze %dma_start3A_374 : memref<1x1x64xf32, #tpu.memory_space<hbm>> -> memref<1x64xf32, #tpu.memory_space<hbm>>
      %dma_start3A_376 = arith.constant 0 : i32
      %dma_start3A_377 = tpu.memref_slice %arg9[%select_n3A_353, %select_n3A_369, %dma_start3A_376] : memref<64x8x64xf32, #tpu.memory_space<vmem>> -> memref<1x1x64xf32, #tpu.memory_space<vmem>>
      %dma_start3A_378 = tpu.memref_squeeze %dma_start3A_377 : memref<1x1x64xf32, #tpu.memory_space<vmem>> -> memref<1x64xf32, #tpu.memory_space<vmem>>
      %dma_start3A_379 = arith.constant 0 : i32
      %dma_start3A_380 = tpu.memref_slice %arg5[%shift_right_arithmetic3A_327, %and3A_329, %dma_start3A_379] : memref<125000x8x64xf32, #tpu.memory_space<hbm>> -> memref<1x1x64xf32, #tpu.memory_space<hbm>>
      %dma_start3A_381 = tpu.memref_squeeze %dma_start3A_380 : memref<1x1x64xf32, #tpu.memory_space<hbm>> -> memref<1x64xf32, #tpu.memory_space<hbm>>
      tpu.enqueue_dma source(%dma_start3A_381 : memref<1x64xf32, #tpu.memory_space<hbm>>) target(%dma_start3A_378 : memref<1x64xf32, #tpu.memory_space<vmem>>) target_semaphore(%arg10 : memref<!tpu.dma_semaphore, #tpu.memory_space<semaphore_mem>>)
      %slice3A_382 = vector.extract_strided_slice %get3A_77 {offsets = [5], sizes = [1], strides = [1]} : vector<16xi32> to vector<1xi32>
      %squeeze3A_383 = vector.extract %slice3A_382[0] : i32 from vector<1xi32>
      %mul3A_384 = arith.constant 16 : i32
      %mul3A_385 = arith.muli %scan3A_72, %mul3A_384 : i32
      %add3A_386 = arith.constant 5 : i32
      %add3A_387 = arith.addi %mul3A_385, %add3A_386 : i32
      %shift_right_arithmetic3A_388 = arith.constant 3 : i32
      %shift_right_arithmetic3A_389 = arith.shrsi %squeeze3A_383, %shift_right_arithmetic3A_388 : i32
      %and3A_390 = arith.constant 7 : i32
      %and3A_391 = arith.andi %squeeze3A_383, %and3A_390 : i32
      %jit3A_392 = arith.constant 8 : i32
      %div3A_393 = arith.divsi %add3A_387, %jit3A_392 : i32
      %sign3A_394 = arith.constant 0 : i32
      %sign3A_395 = arith.cmpi sgt, %add3A_387, %sign3A_394 : i32
      %sign3A_396 = arith.extui %sign3A_395 : i1 to i32
      %sign3A_397 = arith.constant 0 : i32
      %sign3A_398 = arith.cmpi slt, %add3A_387, %sign3A_397 : i32
      %sign3A_399 = arith.extui %sign3A_398 : i1 to i32
      %sign3A_400 = arith.subi %sign3A_396, %sign3A_399 : i32
      %sign3A_401 = arith.constant 0 : i32
      %sign3A_402 = arith.cmpi sgt, %jit3A_392, %sign3A_401 : i32
      %sign3A_403 = arith.extui %sign3A_402 : i1 to i32
      %sign3A_404 = arith.constant 0 : i32
      %sign3A_405 = arith.cmpi slt, %jit3A_392, %sign3A_404 : i32
      %sign3A_406 = arith.extui %sign3A_405 : i1 to i32
      %sign3A_407 = arith.subi %sign3A_403, %sign3A_406 : i32
      %ne3A_408 = arith.cmpi ne, %sign3A_400, %sign3A_407 : i32
      %rem3A_409 = arith.remsi %add3A_387, %jit3A_392 : i32
      %ne3A_410 = arith.constant 0 : i32
      %ne3A_411 = arith.cmpi ne, %rem3A_409, %ne3A_410 : i32
      %and3A_412 = arith.andi %ne3A_408, %ne3A_411 : i1
      %sub3A_413 = arith.constant 1 : i32
      %sub3A_414 = arith.subi %div3A_393, %sub3A_413 : i32
      %select_n3A_415 = arith.select %and3A_412, %sub3A_414, %div3A_393 : i32
      %jit3A_416 = arith.constant 8 : i32
      %eq3A_417 = arith.constant 0 : i32
      %eq3A_418 = arith.cmpi eq, %jit3A_416, %eq3A_417 : i32
      %jit3A_419 = arith.constant 1 : i32
      %select_n3A_420 = arith.select %eq3A_418, %jit3A_419, %jit3A_416 : i32
      %rem3A_421 = arith.remsi %add3A_387, %select_n3A_420 : i32
      %ne3A_422 = arith.constant 0 : i32
      %ne3A_423 = arith.cmpi ne, %rem3A_421, %ne3A_422 : i32
      %lt3A_424 = arith.constant 0 : i32
      %lt3A_425 = arith.cmpi slt, %rem3A_421, %lt3A_424 : i32
      %lt3A_426 = arith.constant 0 : i32
      %lt3A_427 = arith.cmpi slt, %select_n3A_420, %lt3A_426 : i32
      %ne3A_428 = arith.xori %lt3A_425, %lt3A_427 : i1
      %and3A_429 = arith.andi %ne3A_428, %ne3A_423 : i1
      %add3A_430 = arith.addi %rem3A_421, %select_n3A_420 : i32
      %select_n3A_431 = arith.select %and3A_429, %add3A_430, %rem3A_421 : i32
      %dma_start3A_432 = arith.constant 0 : i32
      %dma_start3A_433 = tpu.memref_slice %arg9[%select_n3A_415, %select_n3A_431, %dma_start3A_432] : memref<64x8x64xf32, #tpu.memory_space<vmem>> -> memref<1x1x64xf32, #tpu.memory_space<vmem>>
      %dma_start3A_434 = tpu.memref_squeeze %dma_start3A_433 : memref<1x1x64xf32, #tpu.memory_space<vmem>> -> memref<1x64xf32, #tpu.memory_space<vmem>>
      %dma_start3A_435 = arith.constant 0 : i32
      %dma_start3A_436 = tpu.memref_slice %arg5[%shift_right_arithmetic3A_389, %and3A_391, %dma_start3A_435] : memref<125000x8x64xf32, #tpu.memory_space<hbm>> -> memref<1x1x64xf32, #tpu.memory_space<hbm>>
      %dma_start3A_437 = tpu.memref_squeeze %dma_start3A_436 : memref<1x1x64xf32, #tpu.memory_space<hbm>> -> memref<1x64xf32, #tpu.memory_space<hbm>>
      %dma_start3A_438 = arith.constant 0 : i32
      %dma_start3A_439 = tpu.memref_slice %arg9[%select_n3A_415, %select_n3A_431, %dma_start3A_438] : memref<64x8x64xf32, #tpu.memory_space<vmem>> -> memref<1x1x64xf32, #tpu.memory_space<vmem>>
      %dma_start3A_440 = tpu.memref_squeeze %dma_start3A_439 : memref<1x1x64xf32, #tpu.memory_space<vmem>> -> memref<1x64xf32, #tpu.memory_space<vmem>>
      %dma_start3A_441 = arith.constant 0 : i32
      %dma_start3A_442 = tpu.memref_slice %arg5[%shift_right_arithmetic3A_389, %and3A_391, %dma_start3A_441] : memref<125000x8x64xf32, #tpu.memory_space<hbm>> -> memref<1x1x64xf32, #tpu.memory_space<hbm>>
      %dma_start3A_443 = tpu.memref_squeeze %dma_start3A_442 : memref<1x1x64xf32, #tpu.memory_space<hbm>> -> memref<1x64xf32, #tpu.memory_space<hbm>>
      tpu.enqueue_dma source(%dma_start3A_443 : memref<1x64xf32, #tpu.memory_space<hbm>>) target(%dma_start3A_440 : memref<1x64xf32, #tpu.memory_space<vmem>>) target_semaphore(%arg10 : memref<!tpu.dma_semaphore, #tpu.memory_space<semaphore_mem>>)
      %slice3A_444 = vector.extract_strided_slice %get3A_77 {offsets = [6], sizes = [1], strides = [1]} : vector<16xi32> to vector<1xi32>
      %squeeze3A_445 = vector.extract %slice3A_444[0] : i32 from vector<1xi32>
      %mul3A_446 = arith.constant 16 : i32
      %mul3A_447 = arith.muli %scan3A_72, %mul3A_446 : i32
      %add3A_448 = arith.constant 6 : i32
      %add3A_449 = arith.addi %mul3A_447, %add3A_448 : i32
      %shift_right_arithmetic3A_450 = arith.constant 3 : i32
      %shift_right_arithmetic3A_451 = arith.shrsi %squeeze3A_445, %shift_right_arithmetic3A_450 : i32
      %and3A_452 = arith.constant 7 : i32
      %and3A_453 = arith.andi %squeeze3A_445, %and3A_452 : i32
      %jit3A_454 = arith.constant 8 : i32
      %div3A_455 = arith.divsi %add3A_449, %jit3A_454 : i32
      %sign3A_456 = arith.constant 0 : i32
      %sign3A_457 = arith.cmpi sgt, %add3A_449, %sign3A_456 : i32
      %sign3A_458 = arith.extui %sign3A_457 : i1 to i32
      %sign3A_459 = arith.constant 0 : i32
      %sign3A_460 = arith.cmpi slt, %add3A_449, %sign3A_459 : i32
      %sign3A_461 = arith.extui %sign3A_460 : i1 to i32
      %sign3A_462 = arith.subi %sign3A_458, %sign3A_461 : i32
      %sign3A_463 = arith.constant 0 : i32
      %sign3A_464 = arith.cmpi sgt, %jit3A_454, %sign3A_463 : i32
      %sign3A_465 = arith.extui %sign3A_464 : i1 to i32
      %sign3A_466 = arith.constant 0 : i32
      %sign3A_467 = arith.cmpi slt, %jit3A_454, %sign3A_466 : i32
      %sign3A_468 = arith.extui %sign3A_467 : i1 to i32
      %sign3A_469 = arith.subi %sign3A_465, %sign3A_468 : i32
      %ne3A_470 = arith.cmpi ne, %sign3A_462, %sign3A_469 : i32
      %rem3A_471 = arith.remsi %add3A_449, %jit3A_454 : i32
      %ne3A_472 = arith.constant 0 : i32
      %ne3A_473 = arith.cmpi ne, %rem3A_471, %ne3A_472 : i32
      %and3A_474 = arith.andi %ne3A_470, %ne3A_473 : i1
      %sub3A_475 = arith.constant 1 : i32
      %sub3A_476 = arith.subi %div3A_455, %sub3A_475 : i32
      %select_n3A_477 = arith.select %and3A_474, %sub3A_476, %div3A_455 : i32
      %jit3A_478 = arith.constant 8 : i32
      %eq3A_479 = arith.constant 0 : i32
      %eq3A_480 = arith.cmpi eq, %jit3A_478, %eq3A_479 : i32
      %jit3A_481 = arith.constant 1 : i32
      %select_n3A_482 = arith.select %eq3A_480, %jit3A_481, %jit3A_478 : i32
      %rem3A_483 = arith.remsi %add3A_449, %select_n3A_482 : i32
      %ne3A_484 = arith.constant 0 : i32
      %ne3A_485 = arith.cmpi ne, %rem3A_483, %ne3A_484 : i32
      %lt3A_486 = arith.constant 0 : i32
      %lt3A_487 = arith.cmpi slt, %rem3A_483, %lt3A_486 : i32
      %lt3A_488 = arith.constant 0 : i32
      %lt3A_489 = arith.cmpi slt, %select_n3A_482, %lt3A_488 : i32
      %ne3A_490 = arith.xori %lt3A_487, %lt3A_489 : i1
      %and3A_491 = arith.andi %ne3A_490, %ne3A_485 : i1
      %add3A_492 = arith.addi %rem3A_483, %select_n3A_482 : i32
      %select_n3A_493 = arith.select %and3A_491, %add3A_492, %rem3A_483 : i32
      %dma_start3A_494 = arith.constant 0 : i32
      %dma_start3A_495 = tpu.memref_slice %arg9[%select_n3A_477, %select_n3A_493, %dma_start3A_494] : memref<64x8x64xf32, #tpu.memory_space<vmem>> -> memref<1x1x64xf32, #tpu.memory_space<vmem>>
      %dma_start3A_496 = tpu.memref_squeeze %dma_start3A_495 : memref<1x1x64xf32, #tpu.memory_space<vmem>> -> memref<1x64xf32, #tpu.memory_space<vmem>>
      %dma_start3A_497 = arith.constant 0 : i32
      %dma_start3A_498 = tpu.memref_slice %arg5[%shift_right_arithmetic3A_451, %and3A_453, %dma_start3A_497] : memref<125000x8x64xf32, #tpu.memory_space<hbm>> -> memref<1x1x64xf32, #tpu.memory_space<hbm>>
      %dma_start3A_499 = tpu.memref_squeeze %dma_start3A_498 : memref<1x1x64xf32, #tpu.memory_space<hbm>> -> memref<1x64xf32, #tpu.memory_space<hbm>>
      %dma_start3A_500 = arith.constant 0 : i32
      %dma_start3A_501 = tpu.memref_slice %arg9[%select_n3A_477, %select_n3A_493, %dma_start3A_500] : memref<64x8x64xf32, #tpu.memory_space<vmem>> -> memref<1x1x64xf32, #tpu.memory_space<vmem>>
      %dma_start3A_502 = tpu.memref_squeeze %dma_start3A_501 : memref<1x1x64xf32, #tpu.memory_space<vmem>> -> memref<1x64xf32, #tpu.memory_space<vmem>>
      %dma_start3A_503 = arith.constant 0 : i32
      %dma_start3A_504 = tpu.memref_slice %arg5[%shift_right_arithmetic3A_451, %and3A_453, %dma_start3A_503] : memref<125000x8x64xf32, #tpu.memory_space<hbm>> -> memref<1x1x64xf32, #tpu.memory_space<hbm>>
      %dma_start3A_505 = tpu.memref_squeeze %dma_start3A_504 : memref<1x1x64xf32, #tpu.memory_space<hbm>> -> memref<1x64xf32, #tpu.memory_space<hbm>>
      tpu.enqueue_dma source(%dma_start3A_505 : memref<1x64xf32, #tpu.memory_space<hbm>>) target(%dma_start3A_502 : memref<1x64xf32, #tpu.memory_space<vmem>>) target_semaphore(%arg10 : memref<!tpu.dma_semaphore, #tpu.memory_space<semaphore_mem>>)
      %slice3A_506 = vector.extract_strided_slice %get3A_77 {offsets = [7], sizes = [1], strides = [1]} : vector<16xi32> to vector<1xi32>
      %squeeze3A_507 = vector.extract %slice3A_506[0] : i32 from vector<1xi32>
      %mul3A_508 = arith.constant 16 : i32
      %mul3A_509 = arith.muli %scan3A_72, %mul3A_508 : i32
      %add3A_510 = arith.constant 7 : i32
      %add3A_511 = arith.addi %mul3A_509, %add3A_510 : i32
      %shift_right_arithmetic3A_512 = arith.constant 3 : i32
      %shift_right_arithmetic3A_513 = arith.shrsi %squeeze3A_507, %shift_right_arithmetic3A_512 : i32
      %and3A_514 = arith.constant 7 : i32
      %and3A_515 = arith.andi %squeeze3A_507, %and3A_514 : i32
      %jit3A_516 = arith.constant 8 : i32
      %div3A_517 = arith.divsi %add3A_511, %jit3A_516 : i32
      %sign3A_518 = arith.constant 0 : i32
      %sign3A_519 = arith.cmpi sgt, %add3A_511, %sign3A_518 : i32
      %sign3A_520 = arith.extui %sign3A_519 : i1 to i32
      %sign3A_521 = arith.constant 0 : i32
      %sign3A_522 = arith.cmpi slt, %add3A_511, %sign3A_521 : i32
      %sign3A_523 = arith.extui %sign3A_522 : i1 to i32
      %sign3A_524 = arith.subi %sign3A_520, %sign3A_523 : i32
      %sign3A_525 = arith.constant 0 : i32
      %sign3A_526 = arith.cmpi sgt, %jit3A_516, %sign3A_525 : i32
      %sign3A_527 = arith.extui %sign3A_526 : i1 to i32
      %sign3A_528 = arith.constant 0 : i32
      %sign3A_529 = arith.cmpi slt, %jit3A_516, %sign3A_528 : i32
      %sign3A_530 = arith.extui %sign3A_529 : i1 to i32
      %sign3A_531 = arith.subi %sign3A_527, %sign3A_530 : i32
      %ne3A_532 = arith.cmpi ne, %sign3A_524, %sign3A_531 : i32
      %rem3A_533 = arith.remsi %add3A_511, %jit3A_516 : i32
      %ne3A_534 = arith.constant 0 : i32
      %ne3A_535 = arith.cmpi ne, %rem3A_533, %ne3A_534 : i32
      %and3A_536 = arith.andi %ne3A_532, %ne3A_535 : i1
      %sub3A_537 = arith.constant 1 : i32
      %sub3A_538 = arith.subi %div3A_517, %sub3A_537 : i32
      %select_n3A_539 = arith.select %and3A_536, %sub3A_538, %div3A_517 : i32
      %jit3A_540 = arith.constant 8 : i32
      %eq3A_541 = arith.constant 0 : i32
      %eq3A_542 = arith.cmpi eq, %jit3A_540, %eq3A_541 : i32
      %jit3A_543 = arith.constant 1 : i32
      %select_n3A_544 = arith.select %eq3A_542, %jit3A_543, %jit3A_540 : i32
      %rem3A_545 = arith.remsi %add3A_511, %select_n3A_544 : i32
      %ne3A_546 = arith.constant 0 : i32
      %ne3A_547 = arith.cmpi ne, %rem3A_545, %ne3A_546 : i32
      %lt3A_548 = arith.constant 0 : i32
      %lt3A_549 = arith.cmpi slt, %rem3A_545, %lt3A_548 : i32
      %lt3A_550 = arith.constant 0 : i32
      %lt3A_551 = arith.cmpi slt, %select_n3A_544, %lt3A_550 : i32
      %ne3A_552 = arith.xori %lt3A_549, %lt3A_551 : i1
      %and3A_553 = arith.andi %ne3A_552, %ne3A_547 : i1
      %add3A_554 = arith.addi %rem3A_545, %select_n3A_544 : i32
      %select_n3A_555 = arith.select %and3A_553, %add3A_554, %rem3A_545 : i32
      %dma_start3A_556 = arith.constant 0 : i32
      %dma_start3A_557 = tpu.memref_slice %arg9[%select_n3A_539, %select_n3A_555, %dma_start3A_556] : memref<64x8x64xf32, #tpu.memory_space<vmem>> -> memref<1x1x64xf32, #tpu.memory_space<vmem>>
      %dma_start3A_558 = tpu.memref_squeeze %dma_start3A_557 : memref<1x1x64xf32, #tpu.memory_space<vmem>> -> memref<1x64xf32, #tpu.memory_space<vmem>>
      %dma_start3A_559 = arith.constant 0 : i32
      %dma_start3A_560 = tpu.memref_slice %arg5[%shift_right_arithmetic3A_513, %and3A_515, %dma_start3A_559] : memref<125000x8x64xf32, #tpu.memory_space<hbm>> -> memref<1x1x64xf32, #tpu.memory_space<hbm>>
      %dma_start3A_561 = tpu.memref_squeeze %dma_start3A_560 : memref<1x1x64xf32, #tpu.memory_space<hbm>> -> memref<1x64xf32, #tpu.memory_space<hbm>>
      %dma_start3A_562 = arith.constant 0 : i32
      %dma_start3A_563 = tpu.memref_slice %arg9[%select_n3A_539, %select_n3A_555, %dma_start3A_562] : memref<64x8x64xf32, #tpu.memory_space<vmem>> -> memref<1x1x64xf32, #tpu.memory_space<vmem>>
      %dma_start3A_564 = tpu.memref_squeeze %dma_start3A_563 : memref<1x1x64xf32, #tpu.memory_space<vmem>> -> memref<1x64xf32, #tpu.memory_space<vmem>>
      %dma_start3A_565 = arith.constant 0 : i32
      %dma_start3A_566 = tpu.memref_slice %arg5[%shift_right_arithmetic3A_513, %and3A_515, %dma_start3A_565] : memref<125000x8x64xf32, #tpu.memory_space<hbm>> -> memref<1x1x64xf32, #tpu.memory_space<hbm>>
      %dma_start3A_567 = tpu.memref_squeeze %dma_start3A_566 : memref<1x1x64xf32, #tpu.memory_space<hbm>> -> memref<1x64xf32, #tpu.memory_space<hbm>>
      tpu.enqueue_dma source(%dma_start3A_567 : memref<1x64xf32, #tpu.memory_space<hbm>>) target(%dma_start3A_564 : memref<1x64xf32, #tpu.memory_space<vmem>>) target_semaphore(%arg10 : memref<!tpu.dma_semaphore, #tpu.memory_space<semaphore_mem>>)
      %slice3A_568 = vector.extract_strided_slice %get3A_77 {offsets = [8], sizes = [1], strides = [1]} : vector<16xi32> to vector<1xi32>
      %squeeze3A_569 = vector.extract %slice3A_568[0] : i32 from vector<1xi32>
      %mul3A_570 = arith.constant 16 : i32
      %mul3A_571 = arith.muli %scan3A_72, %mul3A_570 : i32
      %add3A_572 = arith.constant 8 : i32
      %add3A_573 = arith.addi %mul3A_571, %add3A_572 : i32
      %shift_right_arithmetic3A_574 = arith.constant 3 : i32
      %shift_right_arithmetic3A_575 = arith.shrsi %squeeze3A_569, %shift_right_arithmetic3A_574 : i32
      %and3A_576 = arith.constant 7 : i32
      %and3A_577 = arith.andi %squeeze3A_569, %and3A_576 : i32
      %jit3A_578 = arith.constant 8 : i32
      %div3A_579 = arith.divsi %add3A_573, %jit3A_578 : i32
      %sign3A_580 = arith.constant 0 : i32
      %sign3A_581 = arith.cmpi sgt, %add3A_573, %sign3A_580 : i32
      %sign3A_582 = arith.extui %sign3A_581 : i1 to i32
      %sign3A_583 = arith.constant 0 : i32
      %sign3A_584 = arith.cmpi slt, %add3A_573, %sign3A_583 : i32
      %sign3A_585 = arith.extui %sign3A_584 : i1 to i32
      %sign3A_586 = arith.subi %sign3A_582, %sign3A_585 : i32
      %sign3A_587 = arith.constant 0 : i32
      %sign3A_588 = arith.cmpi sgt, %jit3A_578, %sign3A_587 : i32
      %sign3A_589 = arith.extui %sign3A_588 : i1 to i32
      %sign3A_590 = arith.constant 0 : i32
      %sign3A_591 = arith.cmpi slt, %jit3A_578, %sign3A_590 : i32
      %sign3A_592 = arith.extui %sign3A_591 : i1 to i32
      %sign3A_593 = arith.subi %sign3A_589, %sign3A_592 : i32
      %ne3A_594 = arith.cmpi ne, %sign3A_586, %sign3A_593 : i32
      %rem3A_595 = arith.remsi %add3A_573, %jit3A_578 : i32
      %ne3A_596 = arith.constant 0 : i32
      %ne3A_597 = arith.cmpi ne, %rem3A_595, %ne3A_596 : i32
      %and3A_598 = arith.andi %ne3A_594, %ne3A_597 : i1
      %sub3A_599 = arith.constant 1 : i32
      %sub3A_600 = arith.subi %div3A_579, %sub3A_599 : i32
      %select_n3A_601 = arith.select %and3A_598, %sub3A_600, %div3A_579 : i32
      %jit3A_602 = arith.constant 8 : i32
      %eq3A_603 = arith.constant 0 : i32
      %eq3A_604 = arith.cmpi eq, %jit3A_602, %eq3A_603 : i32
      %jit3A_605 = arith.constant 1 : i32
      %select_n3A_606 = arith.select %eq3A_604, %jit3A_605, %jit3A_602 : i32
      %rem3A_607 = arith.remsi %add3A_573, %select_n3A_606 : i32
      %ne3A_608 = arith.constant 0 : i32
      %ne3A_609 = arith.cmpi ne, %rem3A_607, %ne3A_608 : i32
      %lt3A_610 = arith.constant 0 : i32
      %lt3A_611 = arith.cmpi slt, %rem3A_607, %lt3A_610 : i32
      %lt3A_612 = arith.constant 0 : i32
      %lt3A_613 = arith.cmpi slt, %select_n3A_606, %lt3A_612 : i32
      %ne3A_614 = arith.xori %lt3A_611, %lt3A_613 : i1
      %and3A_615 = arith.andi %ne3A_614, %ne3A_609 : i1
      %add3A_616 = arith.addi %rem3A_607, %select_n3A_606 : i32
      %select_n3A_617 = arith.select %and3A_615, %add3A_616, %rem3A_607 : i32
      %dma_start3A_618 = arith.constant 0 : i32
      %dma_start3A_619 = tpu.memref_slice %arg9[%select_n3A_601, %select_n3A_617, %dma_start3A_618] : memref<64x8x64xf32, #tpu.memory_space<vmem>> -> memref<1x1x64xf32, #tpu.memory_space<vmem>>
      %dma_start3A_620 = tpu.memref_squeeze %dma_start3A_619 : memref<1x1x64xf32, #tpu.memory_space<vmem>> -> memref<1x64xf32, #tpu.memory_space<vmem>>
      %dma_start3A_621 = arith.constant 0 : i32
      %dma_start3A_622 = tpu.memref_slice %arg5[%shift_right_arithmetic3A_575, %and3A_577, %dma_start3A_621] : memref<125000x8x64xf32, #tpu.memory_space<hbm>> -> memref<1x1x64xf32, #tpu.memory_space<hbm>>
      %dma_start3A_623 = tpu.memref_squeeze %dma_start3A_622 : memref<1x1x64xf32, #tpu.memory_space<hbm>> -> memref<1x64xf32, #tpu.memory_space<hbm>>
      %dma_start3A_624 = arith.constant 0 : i32
      %dma_start3A_625 = tpu.memref_slice %arg9[%select_n3A_601, %select_n3A_617, %dma_start3A_624] : memref<64x8x64xf32, #tpu.memory_space<vmem>> -> memref<1x1x64xf32, #tpu.memory_space<vmem>>
      %dma_start3A_626 = tpu.memref_squeeze %dma_start3A_625 : memref<1x1x64xf32, #tpu.memory_space<vmem>> -> memref<1x64xf32, #tpu.memory_space<vmem>>
      %dma_start3A_627 = arith.constant 0 : i32
      %dma_start3A_628 = tpu.memref_slice %arg5[%shift_right_arithmetic3A_575, %and3A_577, %dma_start3A_627] : memref<125000x8x64xf32, #tpu.memory_space<hbm>> -> memref<1x1x64xf32, #tpu.memory_space<hbm>>
      %dma_start3A_629 = tpu.memref_squeeze %dma_start3A_628 : memref<1x1x64xf32, #tpu.memory_space<hbm>> -> memref<1x64xf32, #tpu.memory_space<hbm>>
      tpu.enqueue_dma source(%dma_start3A_629 : memref<1x64xf32, #tpu.memory_space<hbm>>) target(%dma_start3A_626 : memref<1x64xf32, #tpu.memory_space<vmem>>) target_semaphore(%arg10 : memref<!tpu.dma_semaphore, #tpu.memory_space<semaphore_mem>>)
      %slice3A_630 = vector.extract_strided_slice %get3A_77 {offsets = [9], sizes = [1], strides = [1]} : vector<16xi32> to vector<1xi32>
      %squeeze3A_631 = vector.extract %slice3A_630[0] : i32 from vector<1xi32>
      %mul3A_632 = arith.constant 16 : i32
      %mul3A_633 = arith.muli %scan3A_72, %mul3A_632 : i32
      %add3A_634 = arith.constant 9 : i32
      %add3A_635 = arith.addi %mul3A_633, %add3A_634 : i32
      %shift_right_arithmetic3A_636 = arith.constant 3 : i32
      %shift_right_arithmetic3A_637 = arith.shrsi %squeeze3A_631, %shift_right_arithmetic3A_636 : i32
      %and3A_638 = arith.constant 7 : i32
      %and3A_639 = arith.andi %squeeze3A_631, %and3A_638 : i32
      %jit3A_640 = arith.constant 8 : i32
      %div3A_641 = arith.divsi %add3A_635, %jit3A_640 : i32
      %sign3A_642 = arith.constant 0 : i32
      %sign3A_643 = arith.cmpi sgt, %add3A_635, %sign3A_642 : i32
      %sign3A_644 = arith.extui %sign3A_643 : i1 to i32
      %sign3A_645 = arith.constant 0 : i32
      %sign3A_646 = arith.cmpi slt, %add3A_635, %sign3A_645 : i32
      %sign3A_647 = arith.extui %sign3A_646 : i1 to i32
      %sign3A_648 = arith.subi %sign3A_644, %sign3A_647 : i32
      %sign3A_649 = arith.constant 0 : i32
      %sign3A_650 = arith.cmpi sgt, %jit3A_640, %sign3A_649 : i32
      %sign3A_651 = arith.extui %sign3A_650 : i1 to i32
      %sign3A_652 = arith.constant 0 : i32
      %sign3A_653 = arith.cmpi slt, %jit3A_640, %sign3A_652 : i32
      %sign3A_654 = arith.extui %sign3A_653 : i1 to i32
      %sign3A_655 = arith.subi %sign3A_651, %sign3A_654 : i32
      %ne3A_656 = arith.cmpi ne, %sign3A_648, %sign3A_655 : i32
      %rem3A_657 = arith.remsi %add3A_635, %jit3A_640 : i32
      %ne3A_658 = arith.constant 0 : i32
      %ne3A_659 = arith.cmpi ne, %rem3A_657, %ne3A_658 : i32
      %and3A_660 = arith.andi %ne3A_656, %ne3A_659 : i1
      %sub3A_661 = arith.constant 1 : i32
      %sub3A_662 = arith.subi %div3A_641, %sub3A_661 : i32
      %select_n3A_663 = arith.select %and3A_660, %sub3A_662, %div3A_641 : i32
      %jit3A_664 = arith.constant 8 : i32
      %eq3A_665 = arith.constant 0 : i32
      %eq3A_666 = arith.cmpi eq, %jit3A_664, %eq3A_665 : i32
      %jit3A_667 = arith.constant 1 : i32
      %select_n3A_668 = arith.select %eq3A_666, %jit3A_667, %jit3A_664 : i32
      %rem3A_669 = arith.remsi %add3A_635, %select_n3A_668 : i32
      %ne3A_670 = arith.constant 0 : i32
      %ne3A_671 = arith.cmpi ne, %rem3A_669, %ne3A_670 : i32
      %lt3A_672 = arith.constant 0 : i32
      %lt3A_673 = arith.cmpi slt, %rem3A_669, %lt3A_672 : i32
      %lt3A_674 = arith.constant 0 : i32
      %lt3A_675 = arith.cmpi slt, %select_n3A_668, %lt3A_674 : i32
      %ne3A_676 = arith.xori %lt3A_673, %lt3A_675 : i1
      %and3A_677 = arith.andi %ne3A_676, %ne3A_671 : i1
      %add3A_678 = arith.addi %rem3A_669, %select_n3A_668 : i32
      %select_n3A_679 = arith.select %and3A_677, %add3A_678, %rem3A_669 : i32
      %dma_start3A_680 = arith.constant 0 : i32
      %dma_start3A_681 = tpu.memref_slice %arg9[%select_n3A_663, %select_n3A_679, %dma_start3A_680] : memref<64x8x64xf32, #tpu.memory_space<vmem>> -> memref<1x1x64xf32, #tpu.memory_space<vmem>>
      %dma_start3A_682 = tpu.memref_squeeze %dma_start3A_681 : memref<1x1x64xf32, #tpu.memory_space<vmem>> -> memref<1x64xf32, #tpu.memory_space<vmem>>
      %dma_start3A_683 = arith.constant 0 : i32
      %dma_start3A_684 = tpu.memref_slice %arg5[%shift_right_arithmetic3A_637, %and3A_639, %dma_start3A_683] : memref<125000x8x64xf32, #tpu.memory_space<hbm>> -> memref<1x1x64xf32, #tpu.memory_space<hbm>>
      %dma_start3A_685 = tpu.memref_squeeze %dma_start3A_684 : memref<1x1x64xf32, #tpu.memory_space<hbm>> -> memref<1x64xf32, #tpu.memory_space<hbm>>
      %dma_start3A_686 = arith.constant 0 : i32
      %dma_start3A_687 = tpu.memref_slice %arg9[%select_n3A_663, %select_n3A_679, %dma_start3A_686] : memref<64x8x64xf32, #tpu.memory_space<vmem>> -> memref<1x1x64xf32, #tpu.memory_space<vmem>>
      %dma_start3A_688 = tpu.memref_squeeze %dma_start3A_687 : memref<1x1x64xf32, #tpu.memory_space<vmem>> -> memref<1x64xf32, #tpu.memory_space<vmem>>
      %dma_start3A_689 = arith.constant 0 : i32
      %dma_start3A_690 = tpu.memref_slice %arg5[%shift_right_arithmetic3A_637, %and3A_639, %dma_start3A_689] : memref<125000x8x64xf32, #tpu.memory_space<hbm>> -> memref<1x1x64xf32, #tpu.memory_space<hbm>>
      %dma_start3A_691 = tpu.memref_squeeze %dma_start3A_690 : memref<1x1x64xf32, #tpu.memory_space<hbm>> -> memref<1x64xf32, #tpu.memory_space<hbm>>
      tpu.enqueue_dma source(%dma_start3A_691 : memref<1x64xf32, #tpu.memory_space<hbm>>) target(%dma_start3A_688 : memref<1x64xf32, #tpu.memory_space<vmem>>) target_semaphore(%arg10 : memref<!tpu.dma_semaphore, #tpu.memory_space<semaphore_mem>>)
      %slice3A_692 = vector.extract_strided_slice %get3A_77 {offsets = [10], sizes = [1], strides = [1]} : vector<16xi32> to vector<1xi32>
      %squeeze3A_693 = vector.extract %slice3A_692[0] : i32 from vector<1xi32>
      %mul3A_694 = arith.constant 16 : i32
      %mul3A_695 = arith.muli %scan3A_72, %mul3A_694 : i32
      %add3A_696 = arith.constant 10 : i32
      %add3A_697 = arith.addi %mul3A_695, %add3A_696 : i32
      %shift_right_arithmetic3A_698 = arith.constant 3 : i32
      %shift_right_arithmetic3A_699 = arith.shrsi %squeeze3A_693, %shift_right_arithmetic3A_698 : i32
      %and3A_700 = arith.constant 7 : i32
      %and3A_701 = arith.andi %squeeze3A_693, %and3A_700 : i32
      %jit3A_702 = arith.constant 8 : i32
      %div3A_703 = arith.divsi %add3A_697, %jit3A_702 : i32
      %sign3A_704 = arith.constant 0 : i32
      %sign3A_705 = arith.cmpi sgt, %add3A_697, %sign3A_704 : i32
      %sign3A_706 = arith.extui %sign3A_705 : i1 to i32
      %sign3A_707 = arith.constant 0 : i32
      %sign3A_708 = arith.cmpi slt, %add3A_697, %sign3A_707 : i32
      %sign3A_709 = arith.extui %sign3A_708 : i1 to i32
      %sign3A_710 = arith.subi %sign3A_706, %sign3A_709 : i32
      %sign3A_711 = arith.constant 0 : i32
      %sign3A_712 = arith.cmpi sgt, %jit3A_702, %sign3A_711 : i32
      %sign3A_713 = arith.extui %sign3A_712 : i1 to i32
      %sign3A_714 = arith.constant 0 : i32
      %sign3A_715 = arith.cmpi slt, %jit3A_702, %sign3A_714 : i32
      %sign3A_716 = arith.extui %sign3A_715 : i1 to i32
      %sign3A_717 = arith.subi %sign3A_713, %sign3A_716 : i32
      %ne3A_718 = arith.cmpi ne, %sign3A_710, %sign3A_717 : i32
      %rem3A_719 = arith.remsi %add3A_697, %jit3A_702 : i32
      %ne3A_720 = arith.constant 0 : i32
      %ne3A_721 = arith.cmpi ne, %rem3A_719, %ne3A_720 : i32
      %and3A_722 = arith.andi %ne3A_718, %ne3A_721 : i1
      %sub3A_723 = arith.constant 1 : i32
      %sub3A_724 = arith.subi %div3A_703, %sub3A_723 : i32
      %select_n3A_725 = arith.select %and3A_722, %sub3A_724, %div3A_703 : i32
      %jit3A_726 = arith.constant 8 : i32
      %eq3A_727 = arith.constant 0 : i32
      %eq3A_728 = arith.cmpi eq, %jit3A_726, %eq3A_727 : i32
      %jit3A_729 = arith.constant 1 : i32
      %select_n3A_730 = arith.select %eq3A_728, %jit3A_729, %jit3A_726 : i32
      %rem3A_731 = arith.remsi %add3A_697, %select_n3A_730 : i32
      %ne3A_732 = arith.constant 0 : i32
      %ne3A_733 = arith.cmpi ne, %rem3A_731, %ne3A_732 : i32
      %lt3A_734 = arith.constant 0 : i32
      %lt3A_735 = arith.cmpi slt, %rem3A_731, %lt3A_734 : i32
      %lt3A_736 = arith.constant 0 : i32
      %lt3A_737 = arith.cmpi slt, %select_n3A_730, %lt3A_736 : i32
      %ne3A_738 = arith.xori %lt3A_735, %lt3A_737 : i1
      %and3A_739 = arith.andi %ne3A_738, %ne3A_733 : i1
      %add3A_740 = arith.addi %rem3A_731, %select_n3A_730 : i32
      %select_n3A_741 = arith.select %and3A_739, %add3A_740, %rem3A_731 : i32
      %dma_start3A_742 = arith.constant 0 : i32
      %dma_start3A_743 = tpu.memref_slice %arg9[%select_n3A_725, %select_n3A_741, %dma_start3A_742] : memref<64x8x64xf32, #tpu.memory_space<vmem>> -> memref<1x1x64xf32, #tpu.memory_space<vmem>>
      %dma_start3A_744 = tpu.memref_squeeze %dma_start3A_743 : memref<1x1x64xf32, #tpu.memory_space<vmem>> -> memref<1x64xf32, #tpu.memory_space<vmem>>
      %dma_start3A_745 = arith.constant 0 : i32
      %dma_start3A_746 = tpu.memref_slice %arg5[%shift_right_arithmetic3A_699, %and3A_701, %dma_start3A_745] : memref<125000x8x64xf32, #tpu.memory_space<hbm>> -> memref<1x1x64xf32, #tpu.memory_space<hbm>>
      %dma_start3A_747 = tpu.memref_squeeze %dma_start3A_746 : memref<1x1x64xf32, #tpu.memory_space<hbm>> -> memref<1x64xf32, #tpu.memory_space<hbm>>
      %dma_start3A_748 = arith.constant 0 : i32
      %dma_start3A_749 = tpu.memref_slice %arg9[%select_n3A_725, %select_n3A_741, %dma_start3A_748] : memref<64x8x64xf32, #tpu.memory_space<vmem>> -> memref<1x1x64xf32, #tpu.memory_space<vmem>>
      %dma_start3A_750 = tpu.memref_squeeze %dma_start3A_749 : memref<1x1x64xf32, #tpu.memory_space<vmem>> -> memref<1x64xf32, #tpu.memory_space<vmem>>
      %dma_start3A_751 = arith.constant 0 : i32
      %dma_start3A_752 = tpu.memref_slice %arg5[%shift_right_arithmetic3A_699, %and3A_701, %dma_start3A_751] : memref<125000x8x64xf32, #tpu.memory_space<hbm>> -> memref<1x1x64xf32, #tpu.memory_space<hbm>>
      %dma_start3A_753 = tpu.memref_squeeze %dma_start3A_752 : memref<1x1x64xf32, #tpu.memory_space<hbm>> -> memref<1x64xf32, #tpu.memory_space<hbm>>
      tpu.enqueue_dma source(%dma_start3A_753 : memref<1x64xf32, #tpu.memory_space<hbm>>) target(%dma_start3A_750 : memref<1x64xf32, #tpu.memory_space<vmem>>) target_semaphore(%arg10 : memref<!tpu.dma_semaphore, #tpu.memory_space<semaphore_mem>>)
      %slice3A_754 = vector.extract_strided_slice %get3A_77 {offsets = [11], sizes = [1], strides = [1]} : vector<16xi32> to vector<1xi32>
      %squeeze3A_755 = vector.extract %slice3A_754[0] : i32 from vector<1xi32>
      %mul3A_756 = arith.constant 16 : i32
      %mul3A_757 = arith.muli %scan3A_72, %mul3A_756 : i32
      %add3A_758 = arith.constant 11 : i32
      %add3A_759 = arith.addi %mul3A_757, %add3A_758 : i32
      %shift_right_arithmetic3A_760 = arith.constant 3 : i32
      %shift_right_arithmetic3A_761 = arith.shrsi %squeeze3A_755, %shift_right_arithmetic3A_760 : i32
      %and3A_762 = arith.constant 7 : i32
      %and3A_763 = arith.andi %squeeze3A_755, %and3A_762 : i32
      %jit3A_764 = arith.constant 8 : i32
      %div3A_765 = arith.divsi %add3A_759, %jit3A_764 : i32
      %sign3A_766 = arith.constant 0 : i32
      %sign3A_767 = arith.cmpi sgt, %add3A_759, %sign3A_766 : i32
      %sign3A_768 = arith.extui %sign3A_767 : i1 to i32
      %sign3A_769 = arith.constant 0 : i32
      %sign3A_770 = arith.cmpi slt, %add3A_759, %sign3A_769 : i32
      %sign3A_771 = arith.extui %sign3A_770 : i1 to i32
      %sign3A_772 = arith.subi %sign3A_768, %sign3A_771 : i32
      %sign3A_773 = arith.constant 0 : i32
      %sign3A_774 = arith.cmpi sgt, %jit3A_764, %sign3A_773 : i32
      %sign3A_775 = arith.extui %sign3A_774 : i1 to i32
      %sign3A_776 = arith.constant 0 : i32
      %sign3A_777 = arith.cmpi slt, %jit3A_764, %sign3A_776 : i32
      %sign3A_778 = arith.extui %sign3A_777 : i1 to i32
      %sign3A_779 = arith.subi %sign3A_775, %sign3A_778 : i32
      %ne3A_780 = arith.cmpi ne, %sign3A_772, %sign3A_779 : i32
      %rem3A_781 = arith.remsi %add3A_759, %jit3A_764 : i32
      %ne3A_782 = arith.constant 0 : i32
      %ne3A_783 = arith.cmpi ne, %rem3A_781, %ne3A_782 : i32
      %and3A_784 = arith.andi %ne3A_780, %ne3A_783 : i1
      %sub3A_785 = arith.constant 1 : i32
      %sub3A_786 = arith.subi %div3A_765, %sub3A_785 : i32
      %select_n3A_787 = arith.select %and3A_784, %sub3A_786, %div3A_765 : i32
      %jit3A_788 = arith.constant 8 : i32
      %eq3A_789 = arith.constant 0 : i32
      %eq3A_790 = arith.cmpi eq, %jit3A_788, %eq3A_789 : i32
      %jit3A_791 = arith.constant 1 : i32
      %select_n3A_792 = arith.select %eq3A_790, %jit3A_791, %jit3A_788 : i32
      %rem3A_793 = arith.remsi %add3A_759, %select_n3A_792 : i32
      %ne3A_794 = arith.constant 0 : i32
      %ne3A_795 = arith.cmpi ne, %rem3A_793, %ne3A_794 : i32
      %lt3A_796 = arith.constant 0 : i32
      %lt3A_797 = arith.cmpi slt, %rem3A_793, %lt3A_796 : i32
      %lt3A_798 = arith.constant 0 : i32
      %lt3A_799 = arith.cmpi slt, %select_n3A_792, %lt3A_798 : i32
      %ne3A_800 = arith.xori %lt3A_797, %lt3A_799 : i1
      %and3A_801 = arith.andi %ne3A_800, %ne3A_795 : i1
      %add3A_802 = arith.addi %rem3A_793, %select_n3A_792 : i32
      %select_n3A_803 = arith.select %and3A_801, %add3A_802, %rem3A_793 : i32
      %dma_start3A_804 = arith.constant 0 : i32
      %dma_start3A_805 = tpu.memref_slice %arg9[%select_n3A_787, %select_n3A_803, %dma_start3A_804] : memref<64x8x64xf32, #tpu.memory_space<vmem>> -> memref<1x1x64xf32, #tpu.memory_space<vmem>>
      %dma_start3A_806 = tpu.memref_squeeze %dma_start3A_805 : memref<1x1x64xf32, #tpu.memory_space<vmem>> -> memref<1x64xf32, #tpu.memory_space<vmem>>
      %dma_start3A_807 = arith.constant 0 : i32
      %dma_start3A_808 = tpu.memref_slice %arg5[%shift_right_arithmetic3A_761, %and3A_763, %dma_start3A_807] : memref<125000x8x64xf32, #tpu.memory_space<hbm>> -> memref<1x1x64xf32, #tpu.memory_space<hbm>>
      %dma_start3A_809 = tpu.memref_squeeze %dma_start3A_808 : memref<1x1x64xf32, #tpu.memory_space<hbm>> -> memref<1x64xf32, #tpu.memory_space<hbm>>
      %dma_start3A_810 = arith.constant 0 : i32
      %dma_start3A_811 = tpu.memref_slice %arg9[%select_n3A_787, %select_n3A_803, %dma_start3A_810] : memref<64x8x64xf32, #tpu.memory_space<vmem>> -> memref<1x1x64xf32, #tpu.memory_space<vmem>>
      %dma_start3A_812 = tpu.memref_squeeze %dma_start3A_811 : memref<1x1x64xf32, #tpu.memory_space<vmem>> -> memref<1x64xf32, #tpu.memory_space<vmem>>
      %dma_start3A_813 = arith.constant 0 : i32
      %dma_start3A_814 = tpu.memref_slice %arg5[%shift_right_arithmetic3A_761, %and3A_763, %dma_start3A_813] : memref<125000x8x64xf32, #tpu.memory_space<hbm>> -> memref<1x1x64xf32, #tpu.memory_space<hbm>>
      %dma_start3A_815 = tpu.memref_squeeze %dma_start3A_814 : memref<1x1x64xf32, #tpu.memory_space<hbm>> -> memref<1x64xf32, #tpu.memory_space<hbm>>
      tpu.enqueue_dma source(%dma_start3A_815 : memref<1x64xf32, #tpu.memory_space<hbm>>) target(%dma_start3A_812 : memref<1x64xf32, #tpu.memory_space<vmem>>) target_semaphore(%arg10 : memref<!tpu.dma_semaphore, #tpu.memory_space<semaphore_mem>>)
      %slice3A_816 = vector.extract_strided_slice %get3A_77 {offsets = [12], sizes = [1], strides = [1]} : vector<16xi32> to vector<1xi32>
      %squeeze3A_817 = vector.extract %slice3A_816[0] : i32 from vector<1xi32>
      %mul3A_818 = arith.constant 16 : i32
      %mul3A_819 = arith.muli %scan3A_72, %mul3A_818 : i32
      %add3A_820 = arith.constant 12 : i32
      %add3A_821 = arith.addi %mul3A_819, %add3A_820 : i32
      %shift_right_arithmetic3A_822 = arith.constant 3 : i32
      %shift_right_arithmetic3A_823 = arith.shrsi %squeeze3A_817, %shift_right_arithmetic3A_822 : i32
      %and3A_824 = arith.constant 7 : i32
      %and3A_825 = arith.andi %squeeze3A_817, %and3A_824 : i32
      %jit3A_826 = arith.constant 8 : i32
      %div3A_827 = arith.divsi %add3A_821, %jit3A_826 : i32
      %sign3A_828 = arith.constant 0 : i32
      %sign3A_829 = arith.cmpi sgt, %add3A_821, %sign3A_828 : i32
      %sign3A_830 = arith.extui %sign3A_829 : i1 to i32
      %sign3A_831 = arith.constant 0 : i32
      %sign3A_832 = arith.cmpi slt, %add3A_821, %sign3A_831 : i32
      %sign3A_833 = arith.extui %sign3A_832 : i1 to i32
      %sign3A_834 = arith.subi %sign3A_830, %sign3A_833 : i32
      %sign3A_835 = arith.constant 0 : i32
      %sign3A_836 = arith.cmpi sgt, %jit3A_826, %sign3A_835 : i32
      %sign3A_837 = arith.extui %sign3A_836 : i1 to i32
      %sign3A_838 = arith.constant 0 : i32
      %sign3A_839 = arith.cmpi slt, %jit3A_826, %sign3A_838 : i32
      %sign3A_840 = arith.extui %sign3A_839 : i1 to i32
      %sign3A_841 = arith.subi %sign3A_837, %sign3A_840 : i32
      %ne3A_842 = arith.cmpi ne, %sign3A_834, %sign3A_841 : i32
      %rem3A_843 = arith.remsi %add3A_821, %jit3A_826 : i32
      %ne3A_844 = arith.constant 0 : i32
      %ne3A_845 = arith.cmpi ne, %rem3A_843, %ne3A_844 : i32
      %and3A_846 = arith.andi %ne3A_842, %ne3A_845 : i1
      %sub3A_847 = arith.constant 1 : i32
      %sub3A_848 = arith.subi %div3A_827, %sub3A_847 : i32
      %select_n3A_849 = arith.select %and3A_846, %sub3A_848, %div3A_827 : i32
      %jit3A_850 = arith.constant 8 : i32
      %eq3A_851 = arith.constant 0 : i32
      %eq3A_852 = arith.cmpi eq, %jit3A_850, %eq3A_851 : i32
      %jit3A_853 = arith.constant 1 : i32
      %select_n3A_854 = arith.select %eq3A_852, %jit3A_853, %jit3A_850 : i32
      %rem3A_855 = arith.remsi %add3A_821, %select_n3A_854 : i32
      %ne3A_856 = arith.constant 0 : i32
      %ne3A_857 = arith.cmpi ne, %rem3A_855, %ne3A_856 : i32
      %lt3A_858 = arith.constant 0 : i32
      %lt3A_859 = arith.cmpi slt, %rem3A_855, %lt3A_858 : i32
      %lt3A_860 = arith.constant 0 : i32
      %lt3A_861 = arith.cmpi slt, %select_n3A_854, %lt3A_860 : i32
      %ne3A_862 = arith.xori %lt3A_859, %lt3A_861 : i1
      %and3A_863 = arith.andi %ne3A_862, %ne3A_857 : i1
      %add3A_864 = arith.addi %rem3A_855, %select_n3A_854 : i32
      %select_n3A_865 = arith.select %and3A_863, %add3A_864, %rem3A_855 : i32
      %dma_start3A_866 = arith.constant 0 : i32
      %dma_start3A_867 = tpu.memref_slice %arg9[%select_n3A_849, %select_n3A_865, %dma_start3A_866] : memref<64x8x64xf32, #tpu.memory_space<vmem>> -> memref<1x1x64xf32, #tpu.memory_space<vmem>>
      %dma_start3A_868 = tpu.memref_squeeze %dma_start3A_867 : memref<1x1x64xf32, #tpu.memory_space<vmem>> -> memref<1x64xf32, #tpu.memory_space<vmem>>
      %dma_start3A_869 = arith.constant 0 : i32
      %dma_start3A_870 = tpu.memref_slice %arg5[%shift_right_arithmetic3A_823, %and3A_825, %dma_start3A_869] : memref<125000x8x64xf32, #tpu.memory_space<hbm>> -> memref<1x1x64xf32, #tpu.memory_space<hbm>>
      %dma_start3A_871 = tpu.memref_squeeze %dma_start3A_870 : memref<1x1x64xf32, #tpu.memory_space<hbm>> -> memref<1x64xf32, #tpu.memory_space<hbm>>
      %dma_start3A_872 = arith.constant 0 : i32
      %dma_start3A_873 = tpu.memref_slice %arg9[%select_n3A_849, %select_n3A_865, %dma_start3A_872] : memref<64x8x64xf32, #tpu.memory_space<vmem>> -> memref<1x1x64xf32, #tpu.memory_space<vmem>>
      %dma_start3A_874 = tpu.memref_squeeze %dma_start3A_873 : memref<1x1x64xf32, #tpu.memory_space<vmem>> -> memref<1x64xf32, #tpu.memory_space<vmem>>
      %dma_start3A_875 = arith.constant 0 : i32
      %dma_start3A_876 = tpu.memref_slice %arg5[%shift_right_arithmetic3A_823, %and3A_825, %dma_start3A_875] : memref<125000x8x64xf32, #tpu.memory_space<hbm>> -> memref<1x1x64xf32, #tpu.memory_space<hbm>>
      %dma_start3A_877 = tpu.memref_squeeze %dma_start3A_876 : memref<1x1x64xf32, #tpu.memory_space<hbm>> -> memref<1x64xf32, #tpu.memory_space<hbm>>
      tpu.enqueue_dma source(%dma_start3A_877 : memref<1x64xf32, #tpu.memory_space<hbm>>) target(%dma_start3A_874 : memref<1x64xf32, #tpu.memory_space<vmem>>) target_semaphore(%arg10 : memref<!tpu.dma_semaphore, #tpu.memory_space<semaphore_mem>>)
      %slice3A_878 = vector.extract_strided_slice %get3A_77 {offsets = [13], sizes = [1], strides = [1]} : vector<16xi32> to vector<1xi32>
      %squeeze3A_879 = vector.extract %slice3A_878[0] : i32 from vector<1xi32>
      %mul3A_880 = arith.constant 16 : i32
      %mul3A_881 = arith.muli %scan3A_72, %mul3A_880 : i32
      %add3A_882 = arith.constant 13 : i32
      %add3A_883 = arith.addi %mul3A_881, %add3A_882 : i32
      %shift_right_arithmetic3A_884 = arith.constant 3 : i32
      %shift_right_arithmetic3A_885 = arith.shrsi %squeeze3A_879, %shift_right_arithmetic3A_884 : i32
      %and3A_886 = arith.constant 7 : i32
      %and3A_887 = arith.andi %squeeze3A_879, %and3A_886 : i32
      %jit3A_888 = arith.constant 8 : i32
      %div3A_889 = arith.divsi %add3A_883, %jit3A_888 : i32
      %sign3A_890 = arith.constant 0 : i32
      %sign3A_891 = arith.cmpi sgt, %add3A_883, %sign3A_890 : i32
      %sign3A_892 = arith.extui %sign3A_891 : i1 to i32
      %sign3A_893 = arith.constant 0 : i32
      %sign3A_894 = arith.cmpi slt, %add3A_883, %sign3A_893 : i32
      %sign3A_895 = arith.extui %sign3A_894 : i1 to i32
      %sign3A_896 = arith.subi %sign3A_892, %sign3A_895 : i32
      %sign3A_897 = arith.constant 0 : i32
      %sign3A_898 = arith.cmpi sgt, %jit3A_888, %sign3A_897 : i32
      %sign3A_899 = arith.extui %sign3A_898 : i1 to i32
      %sign3A_900 = arith.constant 0 : i32
      %sign3A_901 = arith.cmpi slt, %jit3A_888, %sign3A_900 : i32
      %sign3A_902 = arith.extui %sign3A_901 : i1 to i32
      %sign3A_903 = arith.subi %sign3A_899, %sign3A_902 : i32
      %ne3A_904 = arith.cmpi ne, %sign3A_896, %sign3A_903 : i32
      %rem3A_905 = arith.remsi %add3A_883, %jit3A_888 : i32
      %ne3A_906 = arith.constant 0 : i32
      %ne3A_907 = arith.cmpi ne, %rem3A_905, %ne3A_906 : i32
      %and3A_908 = arith.andi %ne3A_904, %ne3A_907 : i1
      %sub3A_909 = arith.constant 1 : i32
      %sub3A_910 = arith.subi %div3A_889, %sub3A_909 : i32
      %select_n3A_911 = arith.select %and3A_908, %sub3A_910, %div3A_889 : i32
      %jit3A_912 = arith.constant 8 : i32
      %eq3A_913 = arith.constant 0 : i32
      %eq3A_914 = arith.cmpi eq, %jit3A_912, %eq3A_913 : i32
      %jit3A_915 = arith.constant 1 : i32
      %select_n3A_916 = arith.select %eq3A_914, %jit3A_915, %jit3A_912 : i32
      %rem3A_917 = arith.remsi %add3A_883, %select_n3A_916 : i32
      %ne3A_918 = arith.constant 0 : i32
      %ne3A_919 = arith.cmpi ne, %rem3A_917, %ne3A_918 : i32
      %lt3A_920 = arith.constant 0 : i32
      %lt3A_921 = arith.cmpi slt, %rem3A_917, %lt3A_920 : i32
      %lt3A_922 = arith.constant 0 : i32
      %lt3A_923 = arith.cmpi slt, %select_n3A_916, %lt3A_922 : i32
      %ne3A_924 = arith.xori %lt3A_921, %lt3A_923 : i1
      %and3A_925 = arith.andi %ne3A_924, %ne3A_919 : i1
      %add3A_926 = arith.addi %rem3A_917, %select_n3A_916 : i32
      %select_n3A_927 = arith.select %and3A_925, %add3A_926, %rem3A_917 : i32
      %dma_start3A_928 = arith.constant 0 : i32
      %dma_start3A_929 = tpu.memref_slice %arg9[%select_n3A_911, %select_n3A_927, %dma_start3A_928] : memref<64x8x64xf32, #tpu.memory_space<vmem>> -> memref<1x1x64xf32, #tpu.memory_space<vmem>>
      %dma_start3A_930 = tpu.memref_squeeze %dma_start3A_929 : memref<1x1x64xf32, #tpu.memory_space<vmem>> -> memref<1x64xf32, #tpu.memory_space<vmem>>
      %dma_start3A_931 = arith.constant 0 : i32
      %dma_start3A_932 = tpu.memref_slice %arg5[%shift_right_arithmetic3A_885, %and3A_887, %dma_start3A_931] : memref<125000x8x64xf32, #tpu.memory_space<hbm>> -> memref<1x1x64xf32, #tpu.memory_space<hbm>>
      %dma_start3A_933 = tpu.memref_squeeze %dma_start3A_932 : memref<1x1x64xf32, #tpu.memory_space<hbm>> -> memref<1x64xf32, #tpu.memory_space<hbm>>
      %dma_start3A_934 = arith.constant 0 : i32
      %dma_start3A_935 = tpu.memref_slice %arg9[%select_n3A_911, %select_n3A_927, %dma_start3A_934] : memref<64x8x64xf32, #tpu.memory_space<vmem>> -> memref<1x1x64xf32, #tpu.memory_space<vmem>>
      %dma_start3A_936 = tpu.memref_squeeze %dma_start3A_935 : memref<1x1x64xf32, #tpu.memory_space<vmem>> -> memref<1x64xf32, #tpu.memory_space<vmem>>
      %dma_start3A_937 = arith.constant 0 : i32
      %dma_start3A_938 = tpu.memref_slice %arg5[%shift_right_arithmetic3A_885, %and3A_887, %dma_start3A_937] : memref<125000x8x64xf32, #tpu.memory_space<hbm>> -> memref<1x1x64xf32, #tpu.memory_space<hbm>>
      %dma_start3A_939 = tpu.memref_squeeze %dma_start3A_938 : memref<1x1x64xf32, #tpu.memory_space<hbm>> -> memref<1x64xf32, #tpu.memory_space<hbm>>
      tpu.enqueue_dma source(%dma_start3A_939 : memref<1x64xf32, #tpu.memory_space<hbm>>) target(%dma_start3A_936 : memref<1x64xf32, #tpu.memory_space<vmem>>) target_semaphore(%arg10 : memref<!tpu.dma_semaphore, #tpu.memory_space<semaphore_mem>>)
      %slice3A_940 = vector.extract_strided_slice %get3A_77 {offsets = [14], sizes = [1], strides = [1]} : vector<16xi32> to vector<1xi32>
      %squeeze3A_941 = vector.extract %slice3A_940[0] : i32 from vector<1xi32>
      %mul3A_942 = arith.constant 16 : i32
      %mul3A_943 = arith.muli %scan3A_72, %mul3A_942 : i32
      %add3A_944 = arith.constant 14 : i32
      %add3A_945 = arith.addi %mul3A_943, %add3A_944 : i32
      %shift_right_arithmetic3A_946 = arith.constant 3 : i32
      %shift_right_arithmetic3A_947 = arith.shrsi %squeeze3A_941, %shift_right_arithmetic3A_946 : i32
      %and3A_948 = arith.constant 7 : i32
      %and3A_949 = arith.andi %squeeze3A_941, %and3A_948 : i32
      %jit3A_950 = arith.constant 8 : i32
      %div3A_951 = arith.divsi %add3A_945, %jit3A_950 : i32
      %sign3A_952 = arith.constant 0 : i32
      %sign3A_953 = arith.cmpi sgt, %add3A_945, %sign3A_952 : i32
      %sign3A_954 = arith.extui %sign3A_953 : i1 to i32
      %sign3A_955 = arith.constant 0 : i32
      %sign3A_956 = arith.cmpi slt, %add3A_945, %sign3A_955 : i32
      %sign3A_957 = arith.extui %sign3A_956 : i1 to i32
      %sign3A_958 = arith.subi %sign3A_954, %sign3A_957 : i32
      %sign3A_959 = arith.constant 0 : i32
      %sign3A_960 = arith.cmpi sgt, %jit3A_950, %sign3A_959 : i32
      %sign3A_961 = arith.extui %sign3A_960 : i1 to i32
      %sign3A_962 = arith.constant 0 : i32
      %sign3A_963 = arith.cmpi slt, %jit3A_950, %sign3A_962 : i32
      %sign3A_964 = arith.extui %sign3A_963 : i1 to i32
      %sign3A_965 = arith.subi %sign3A_961, %sign3A_964 : i32
      %ne3A_966 = arith.cmpi ne, %sign3A_958, %sign3A_965 : i32
      %rem3A_967 = arith.remsi %add3A_945, %jit3A_950 : i32
      %ne3A_968 = arith.constant 0 : i32
      %ne3A_969 = arith.cmpi ne, %rem3A_967, %ne3A_968 : i32
      %and3A_970 = arith.andi %ne3A_966, %ne3A_969 : i1
      %sub3A_971 = arith.constant 1 : i32
      %sub3A_972 = arith.subi %div3A_951, %sub3A_971 : i32
      %select_n3A_973 = arith.select %and3A_970, %sub3A_972, %div3A_951 : i32
      %jit3A_974 = arith.constant 8 : i32
      %eq3A_975 = arith.constant 0 : i32
      %eq3A_976 = arith.cmpi eq, %jit3A_974, %eq3A_975 : i32
      %jit3A_977 = arith.constant 1 : i32
      %select_n3A_978 = arith.select %eq3A_976, %jit3A_977, %jit3A_974 : i32
      %rem3A_979 = arith.remsi %add3A_945, %select_n3A_978 : i32
      %ne3A_980 = arith.constant 0 : i32
      %ne3A_981 = arith.cmpi ne, %rem3A_979, %ne3A_980 : i32
      %lt3A_982 = arith.constant 0 : i32
      %lt3A_983 = arith.cmpi slt, %rem3A_979, %lt3A_982 : i32
      %lt3A_984 = arith.constant 0 : i32
      %lt3A_985 = arith.cmpi slt, %select_n3A_978, %lt3A_984 : i32
      %ne3A_986 = arith.xori %lt3A_983, %lt3A_985 : i1
      %and3A_987 = arith.andi %ne3A_986, %ne3A_981 : i1
      %add3A_988 = arith.addi %rem3A_979, %select_n3A_978 : i32
      %select_n3A_989 = arith.select %and3A_987, %add3A_988, %rem3A_979 : i32
      %dma_start3A_990 = arith.constant 0 : i32
      %dma_start3A_991 = tpu.memref_slice %arg9[%select_n3A_973, %select_n3A_989, %dma_start3A_990] : memref<64x8x64xf32, #tpu.memory_space<vmem>> -> memref<1x1x64xf32, #tpu.memory_space<vmem>>
      %dma_start3A_992 = tpu.memref_squeeze %dma_start3A_991 : memref<1x1x64xf32, #tpu.memory_space<vmem>> -> memref<1x64xf32, #tpu.memory_space<vmem>>
      %dma_start3A_993 = arith.constant 0 : i32
      %dma_start3A_994 = tpu.memref_slice %arg5[%shift_right_arithmetic3A_947, %and3A_949, %dma_start3A_993] : memref<125000x8x64xf32, #tpu.memory_space<hbm>> -> memref<1x1x64xf32, #tpu.memory_space<hbm>>
      %dma_start3A_995 = tpu.memref_squeeze %dma_start3A_994 : memref<1x1x64xf32, #tpu.memory_space<hbm>> -> memref<1x64xf32, #tpu.memory_space<hbm>>
      %dma_start3A_996 = arith.constant 0 : i32
      %dma_start3A_997 = tpu.memref_slice %arg9[%select_n3A_973, %select_n3A_989, %dma_start3A_996] : memref<64x8x64xf32, #tpu.memory_space<vmem>> -> memref<1x1x64xf32, #tpu.memory_space<vmem>>
      %dma_start3A_998 = tpu.memref_squeeze %dma_start3A_997 : memref<1x1x64xf32, #tpu.memory_space<vmem>> -> memref<1x64xf32, #tpu.memory_space<vmem>>
      %dma_start3A_999 = arith.constant 0 : i32
      %dma_start3A_1000 = tpu.memref_slice %arg5[%shift_right_arithmetic3A_947, %and3A_949, %dma_start3A_999] : memref<125000x8x64xf32, #tpu.memory_space<hbm>> -> memref<1x1x64xf32, #tpu.memory_space<hbm>>
      %dma_start3A_1001 = tpu.memref_squeeze %dma_start3A_1000 : memref<1x1x64xf32, #tpu.memory_space<hbm>> -> memref<1x64xf32, #tpu.memory_space<hbm>>
      tpu.enqueue_dma source(%dma_start3A_1001 : memref<1x64xf32, #tpu.memory_space<hbm>>) target(%dma_start3A_998 : memref<1x64xf32, #tpu.memory_space<vmem>>) target_semaphore(%arg10 : memref<!tpu.dma_semaphore, #tpu.memory_space<semaphore_mem>>)
      %slice3A_1002 = vector.extract_strided_slice %get3A_77 {offsets = [15], sizes = [1], strides = [1]} : vector<16xi32> to vector<1xi32>
      %squeeze3A_1003 = vector.extract %slice3A_1002[0] : i32 from vector<1xi32>
      %mul3A_1004 = arith.constant 16 : i32
      %mul3A_1005 = arith.muli %scan3A_72, %mul3A_1004 : i32
      %add3A_1006 = arith.constant 15 : i32
      %add3A_1007 = arith.addi %mul3A_1005, %add3A_1006 : i32
      %shift_right_arithmetic3A_1008 = arith.constant 3 : i32
      %shift_right_arithmetic3A_1009 = arith.shrsi %squeeze3A_1003, %shift_right_arithmetic3A_1008 : i32
      %and3A_1010 = arith.constant 7 : i32
      %and3A_1011 = arith.andi %squeeze3A_1003, %and3A_1010 : i32
      %jit3A_1012 = arith.constant 8 : i32
      %div3A_1013 = arith.divsi %add3A_1007, %jit3A_1012 : i32
      %sign3A_1014 = arith.constant 0 : i32
      %sign3A_1015 = arith.cmpi sgt, %add3A_1007, %sign3A_1014 : i32
      %sign3A_1016 = arith.extui %sign3A_1015 : i1 to i32
      %sign3A_1017 = arith.constant 0 : i32
      %sign3A_1018 = arith.cmpi slt, %add3A_1007, %sign3A_1017 : i32
      %sign3A_1019 = arith.extui %sign3A_1018 : i1 to i32
      %sign3A_1020 = arith.subi %sign3A_1016, %sign3A_1019 : i32
      %sign3A_1021 = arith.constant 0 : i32
      %sign3A_1022 = arith.cmpi sgt, %jit3A_1012, %sign3A_1021 : i32
      %sign3A_1023 = arith.extui %sign3A_1022 : i1 to i32
      %sign3A_1024 = arith.constant 0 : i32
      %sign3A_1025 = arith.cmpi slt, %jit3A_1012, %sign3A_1024 : i32
      %sign3A_1026 = arith.extui %sign3A_1025 : i1 to i32
      %sign3A_1027 = arith.subi %sign3A_1023, %sign3A_1026 : i32
      %ne3A_1028 = arith.cmpi ne, %sign3A_1020, %sign3A_1027 : i32
      %rem3A_1029 = arith.remsi %add3A_1007, %jit3A_1012 : i32
      %ne3A_1030 = arith.constant 0 : i32
      %ne3A_1031 = arith.cmpi ne, %rem3A_1029, %ne3A_1030 : i32
      %and3A_1032 = arith.andi %ne3A_1028, %ne3A_1031 : i1
      %sub3A_1033 = arith.constant 1 : i32
      %sub3A_1034 = arith.subi %div3A_1013, %sub3A_1033 : i32
      %select_n3A_1035 = arith.select %and3A_1032, %sub3A_1034, %div3A_1013 : i32
      %jit3A_1036 = arith.constant 8 : i32
      %eq3A_1037 = arith.constant 0 : i32
      %eq3A_1038 = arith.cmpi eq, %jit3A_1036, %eq3A_1037 : i32
      %jit3A_1039 = arith.constant 1 : i32
      %select_n3A_1040 = arith.select %eq3A_1038, %jit3A_1039, %jit3A_1036 : i32
      %rem3A_1041 = arith.remsi %add3A_1007, %select_n3A_1040 : i32
      %ne3A_1042 = arith.constant 0 : i32
      %ne3A_1043 = arith.cmpi ne, %rem3A_1041, %ne3A_1042 : i32
      %lt3A_1044 = arith.constant 0 : i32
      %lt3A_1045 = arith.cmpi slt, %rem3A_1041, %lt3A_1044 : i32
      %lt3A_1046 = arith.constant 0 : i32
      %lt3A_1047 = arith.cmpi slt, %select_n3A_1040, %lt3A_1046 : i32
      %ne3A_1048 = arith.xori %lt3A_1045, %lt3A_1047 : i1
      %and3A_1049 = arith.andi %ne3A_1048, %ne3A_1043 : i1
      %add3A_1050 = arith.addi %rem3A_1041, %select_n3A_1040 : i32
      %select_n3A_1051 = arith.select %and3A_1049, %add3A_1050, %rem3A_1041 : i32
      %dma_start3A_1052 = arith.constant 0 : i32
      %dma_start3A_1053 = tpu.memref_slice %arg9[%select_n3A_1035, %select_n3A_1051, %dma_start3A_1052] : memref<64x8x64xf32, #tpu.memory_space<vmem>> -> memref<1x1x64xf32, #tpu.memory_space<vmem>>
      %dma_start3A_1054 = tpu.memref_squeeze %dma_start3A_1053 : memref<1x1x64xf32, #tpu.memory_space<vmem>> -> memref<1x64xf32, #tpu.memory_space<vmem>>
      %dma_start3A_1055 = arith.constant 0 : i32
      %dma_start3A_1056 = tpu.memref_slice %arg5[%shift_right_arithmetic3A_1009, %and3A_1011, %dma_start3A_1055] : memref<125000x8x64xf32, #tpu.memory_space<hbm>> -> memref<1x1x64xf32, #tpu.memory_space<hbm>>
      %dma_start3A_1057 = tpu.memref_squeeze %dma_start3A_1056 : memref<1x1x64xf32, #tpu.memory_space<hbm>> -> memref<1x64xf32, #tpu.memory_space<hbm>>
      %dma_start3A_1058 = arith.constant 0 : i32
      %dma_start3A_1059 = tpu.memref_slice %arg9[%select_n3A_1035, %select_n3A_1051, %dma_start3A_1058] : memref<64x8x64xf32, #tpu.memory_space<vmem>> -> memref<1x1x64xf32, #tpu.memory_space<vmem>>
      %dma_start3A_1060 = tpu.memref_squeeze %dma_start3A_1059 : memref<1x1x64xf32, #tpu.memory_space<vmem>> -> memref<1x64xf32, #tpu.memory_space<vmem>>
      %dma_start3A_1061 = arith.constant 0 : i32
      %dma_start3A_1062 = tpu.memref_slice %arg5[%shift_right_arithmetic3A_1009, %and3A_1011, %dma_start3A_1061] : memref<125000x8x64xf32, #tpu.memory_space<hbm>> -> memref<1x1x64xf32, #tpu.memory_space<hbm>>
      %dma_start3A_1063 = tpu.memref_squeeze %dma_start3A_1062 : memref<1x1x64xf32, #tpu.memory_space<hbm>> -> memref<1x64xf32, #tpu.memory_space<hbm>>
      tpu.enqueue_dma source(%dma_start3A_1063 : memref<1x64xf32, #tpu.memory_space<hbm>>) target(%dma_start3A_1060 : memref<1x64xf32, #tpu.memory_space<vmem>>) target_semaphore(%arg10 : memref<!tpu.dma_semaphore, #tpu.memory_space<semaphore_mem>>)
      %scan3A_1064 = arith.constant 0 : i32
      scf.yield %scan3A_1064 : i32
    }
    %scan3A_38 = arith.constant 32 : i32
    %dma_wait3A_39 = arith.constant 0 : i32
    %dma_wait3A_40 = arith.constant 0 : i32
    %dma_wait3A_41 = arith.constant 0 : i32
    %dma_wait3A_42 = tpu.memref_slice %arg4[%dma_wait3A_39, %dma_wait3A_40, %dma_wait3A_41] : memref<125000x8x64xf32, #tpu.memory_space<hbm>> -> memref<64x8x64xf32, #tpu.memory_space<hbm>>
    %dma_wait3A_43 = arith.constant 0 : i32
    %dma_wait3A_44 = arith.constant 0 : i32
    %dma_wait3A_45 = arith.constant 0 : i32
    %dma_wait3A_46 = tpu.memref_slice %arg4[%dma_wait3A_43, %dma_wait3A_44, %dma_wait3A_45] : memref<125000x8x64xf32, #tpu.memory_space<hbm>> -> memref<64x8x64xf32, #tpu.memory_space<hbm>>
    tpu.wait_dma2 semaphore(%arg10 : memref<!tpu.dma_semaphore, #tpu.memory_space<semaphore_mem>>) src(%dma_wait3A_46 : memref<64x8x64xf32, #tpu.memory_space<hbm>>) dst(%arg9 : memref<64x8x64xf32, #tpu.memory_space<vmem>>)
    %jit3A_47 = arith.constant 8 : i32
    %div3A_48 = arith.divsi %mul3A_2, %jit3A_47 : i32
    %sign3A_49 = arith.constant 0 : i32
    %sign3A_50 = arith.cmpi sgt, %mul3A_2, %sign3A_49 : i32
    %sign3A_51 = arith.extui %sign3A_50 : i1 to i32
    %sign3A_52 = arith.constant 0 : i32
    %sign3A_53 = arith.cmpi slt, %mul3A_2, %sign3A_52 : i32
    %sign3A_54 = arith.extui %sign3A_53 : i1 to i32
    %sign3A_55 = arith.subi %sign3A_51, %sign3A_54 : i32
    %sign3A_56 = arith.constant 0 : i32
    %sign3A_57 = arith.cmpi sgt, %jit3A_47, %sign3A_56 : i32
    %sign3A_58 = arith.extui %sign3A_57 : i1 to i32
    %sign3A_59 = arith.constant 0 : i32
    %sign3A_60 = arith.cmpi slt, %jit3A_47, %sign3A_59 : i32
    %sign3A_61 = arith.extui %sign3A_60 : i1 to i32
    %sign3A_62 = arith.subi %sign3A_58, %sign3A_61 : i32
    %ne3A_63 = arith.cmpi ne, %sign3A_55, %sign3A_62 : i32
    %rem3A_64 = arith.remsi %mul3A_2, %jit3A_47 : i32
    %ne3A_65 = arith.constant 0 : i32
    %ne3A_66 = arith.cmpi ne, %rem3A_64, %ne3A_65 : i32
    %and3A_67 = arith.andi %ne3A_63, %ne3A_66 : i1
    %sub3A_68 = arith.constant 1 : i32
    %sub3A_69 = arith.subi %div3A_48, %sub3A_68 : i32
    %select_n3A_70 = arith.select %and3A_67, %sub3A_69, %div3A_48 : i32
    %run_scoped3A_71 = arith.constant 1 : i32
    "tpu.region"() ({
      %run_scoped3A_72 = tpu.sem_alloc : memref<!tpu.dma_semaphore, #tpu.memory_space<semaphore_mem>>
      %dma_start3A = arith.constant 0 : i32
      %dma_start3A_73 = arith.constant 0 : i32
      %dma_start3A_74 = tpu.memref_slice %arg6[%run_scoped3A_71, %select_n3A_70, %dma_start3A, %dma_start3A_73] : memref<2x2048x8x64xf32, #tpu.memory_space<hbm>> -> memref<1x64x8x64xf32, #tpu.memory_space<hbm>>
      %dma_start3A_75 = tpu.memref_squeeze %dma_start3A_74 : memref<1x64x8x64xf32, #tpu.memory_space<hbm>> -> memref<64x8x64xf32, #tpu.memory_space<hbm>>
      %dma_start3A_76 = arith.constant 0 : i32
      %dma_start3A_77 = arith.constant 0 : i32
      %dma_start3A_78 = tpu.memref_slice %arg6[%run_scoped3A_71, %select_n3A_70, %dma_start3A_76, %dma_start3A_77] : memref<2x2048x8x64xf32, #tpu.memory_space<hbm>> -> memref<1x64x8x64xf32, #tpu.memory_space<hbm>>
      %dma_start3A_79 = tpu.memref_squeeze %dma_start3A_78 : memref<1x64x8x64xf32, #tpu.memory_space<hbm>> -> memref<64x8x64xf32, #tpu.memory_space<hbm>>
      tpu.enqueue_dma source(%arg9 : memref<64x8x64xf32, #tpu.memory_space<vmem>>) target(%dma_start3A_79 : memref<64x8x64xf32, #tpu.memory_space<hbm>>) target_semaphore(%run_scoped3A_72 : memref<!tpu.dma_semaphore, #tpu.memory_space<semaphore_mem>>)
      %dma_wait3A_80 = arith.constant 0 : i32
      %dma_wait3A_81 = arith.constant 0 : i32
      %dma_wait3A_82 = tpu.memref_slice %arg6[%run_scoped3A_71, %select_n3A_70, %dma_wait3A_80, %dma_wait3A_81] : memref<2x2048x8x64xf32, #tpu.memory_space<hbm>> -> memref<1x64x8x64xf32, #tpu.memory_space<hbm>>
      %dma_wait3A_83 = tpu.memref_squeeze %dma_wait3A_82 : memref<1x64x8x64xf32, #tpu.memory_space<hbm>> -> memref<64x8x64xf32, #tpu.memory_space<hbm>>
      %dma_wait3A_84 = arith.constant 0 : i32
      %dma_wait3A_85 = arith.constant 0 : i32
      %dma_wait3A_86 = tpu.memref_slice %arg6[%run_scoped3A_71, %select_n3A_70, %dma_wait3A_84, %dma_wait3A_85] : memref<2x2048x8x64xf32, #tpu.memory_space<hbm>> -> memref<1x64x8x64xf32, #tpu.memory_space<hbm>>
      %dma_wait3A_87 = tpu.memref_squeeze %dma_wait3A_86 : memref<1x64x8x64xf32, #tpu.memory_space<hbm>> -> memref<64x8x64xf32, #tpu.memory_space<hbm>>
      tpu.wait_dma2 semaphore(%run_scoped3A_72 : memref<!tpu.dma_semaphore, #tpu.memory_space<semaphore_mem>>) src(%arg9 : memref<64x8x64xf32, #tpu.memory_space<vmem>>) dst(%dma_wait3A_87 : memref<64x8x64xf32, #tpu.memory_space<hbm>>)
      tpu.yield
    }) : () -> ()
    return
  }
}

</mosaic_0001>

<sc_bundles>
// kernel: kernel.3.cloned.1.call-start
scs
__scs_entry_jumppad:
0x0: {  	(pc) =	sbr.rel $0x88, $3  }
0x1: {  	(tag) =	ssettag $0x0;
	lr =	simm.s32 $0x1  }
0x2: {  	[smem:$0x3F9D] =	sst lr;
	_ =	strace $0xD0000000  }
0x3: {  	_ = 	snop  }
0x4: {  	_ = 	snop  }
0x5: {  	_ = 	snop  }
0x6: {  	_ = 	snop  }
0x7: {  	_ = 	snop  }
__scs_overlays_trampoline_lowered:
0x8: {  	[smem:$0x3FAC] =	sst s0  }
0x9: {  	[smem:$0x3FAD] =	sst s1  }
0xa: {  	[smem:$0x3FAE] =	sst s2  }
0xb: {  	[smem:$0x3FAF] =	sst s3  }
0xc: {  	[smem:$0x3FB0] =	sst s4  }
0xd: {  	[smem:$0x3FB1] =	sst s5  }
0xe: {  	[smem:$0x3FB2] =	sst s6  }
0xf: {  	[smem:$0x3FB3] =	sst s7  }
0x10: {  	[smem:$0x3FB4] =	sst s8  }
0x11: {  	[smem:$0x3FB5] =	sst s9;
	s0 =	simm.s32 @!p0 $0x0  }
0x12: {  	s1 =	sld [smem:$0x3F9B];
	s0 =	simm.s32 @p0 $0x1  }
0x13: {  	[smem:$0x3FB6] =	sst s0;
	s0 =	simm.s32 @!p1 $0x0  }
0x14: {  	s2 =	sld [smem:$0x3F9A];
	s0 =	simm.s32 @p1 $0x1  }
0x15: {  	[smem:$0x3FB7] =	sst s0;
	s0 =	simm.s32 @!p2 $0x0  }
0x16: {  	s3 =	sld [smem:$0x3FDB];
	s0 =	simm.s32 @p2 $0x1  }
0x17: {  	s4 =	simm.s32 $0x1BF5;
	[smem:$0x3FB9] =	sst s0  }
0x18: {  	s0 =	sld [smem:$0x3F9C];
	_ =	swait.ge [sflag:s4], $0x0  }
0x19: {  	s7 =	sld [smem:$0x3F9D]  }
0x1a: {  	s8 =	sadd.s32 $0xFFFFE003, lr  }
0x1b: {  	s9 =	sadd.s32 $0xFFFFFEF7, lr;
	s5 =	simm.s32 $0xFFFFFFFF;
	p2 =	slt.u32 s8, $0xFFFFF086  }
0x1c: {  	p1 =	slt.u32 s9, $0xF7A;
	s5 =	simm.s32 @!p2 $0x0  }
0x1d: {  	s5 =	simm.s32 @p1 $0x1;
	p0 =	seq.s32 s7, s2  }
0x1e: {  	s7 =	smul.u32 @!p0 $0xF7A, s2;
	p2 =	seq.s32 @!p0 s5, $0x0  }
0x1f: {  	s9 =	smul.u32 $0xF7A, s1;
	s8 =	simm.s32 @!p0 $0x1BF5;
	p2 =	por !p2, p0  }
0x20: {  	[sflag:s8] =	ssyncset.s32 @!p0 $0xFFFFF086;
	s6 =	sadd.s32 @!p0 s3, s7;
	s7 =	simm.s32 @!p0 $0x108  }
0x21: {  	s3 =	sadd.s32 s3, s9;
	s6 =	sadd.s32 @!p0 $0x88, s6;
	s7 =	simm.s32 @p2 $0x1082  }
0x22: {  	[simem:s7], [sflag:s8] =	dma.local @!p0 [hbm:s6], $0xF7A  }
0x23: {  	s9 =	sor.u32 $0xD0000000, s2;
	s6 =	simm.s32 $0x108;
	_ =	swait.ge @!p0 [sflag:s8], $0x0  }
0x24: {  	s3 =	sadd.s32 $0x88, s3;
	s6 =	simm.s32 @!p1 $0x1082;
	[sflag:s4] =	ssyncset.s32 $0xFFFFF086  }
0x25: {  	[simem:s6], [sflag:s4] =	dma.local [hbm:s3], $0xF7A  }
0x26: {  	[smem:$0x3F9D] =	sst s1;
	(tag) =	ssettag s2;
	_ =	strace s9  }
0x27: {  	s1 =	sld [smem:$0x3FAD]  }
0x28: {  	s2 =	sld [smem:$0x3FAE]  }
0x29: {  	s4 =	sld [smem:$0x3FB0]  }
0x2a: {  	p0 =	seq.s32 s5, $0x0;
	s5 =	sld [smem:$0x3FB1]  }
0x2b: {  	s6 =	sld [smem:$0x3FB2]  }
0x2c: {  	s7 =	sld [smem:$0x3FB3]  }
0x2d: {  	s3 =	simm.s32 $0x108;
	s8 =	sld [smem:$0x3FB4]  }
0x2e: {  	s3 =	simm.s32 @!p0 $0x1082;
	s9 =	sld [smem:$0x3FB5]  }
0x2f: {  	lr =	sadd.s32 s0, s3;
	s0 =	sld [smem:$0x3FAC]  }
0x30: {  	s3 =	sld [smem:$0x3FAF]  }
0x31: {  	[smem:$0x3FB8] =	sst s10  }
0x32: {  	s10 =	sld [smem:$0x3FB6];
	_ =	sdelay $0x3  }
0x33: {  	p0 =	seq.s32 s10, $0x1;
	s10 =	sld [smem:$0x3FB8];
	_ =	sdelay $0x3  }
0x34: {  	[smem:$0x3FB8] =	sst s10  }
0x35: {  	s10 =	sld [smem:$0x3FB7];
	_ =	sdelay $0x3  }
0x36: {  	p1 =	seq.s32 s10, $0x1;
	s10 =	sld [smem:$0x3FB8];
	_ =	sdelay $0x3  }
0x37: {  	[smem:$0x3FB8] =	sst s10  }
0x38: {  	s10 =	sld [smem:$0x3FB9]  }
0x39: {  	_ = 	snop;
	(pc) =	sbr.ind lr, $3  }
0x3a: {  	_ = 	snop  }
0x3b: {  	_ = 	snop  }
0x3c: {  	p2 =	seq.s32 s10, $0x1;
	s10 =	sld [smem:$0x3FB8]  }
0x3d: {  	_ =	shalt  }
0x3e: {  	_ =	shalt  }
0x3f: {  	_ =	shalt  }
0x40: {  	_ =	shalt  }
0x41: {  	_ =	shalt  }
0x42: {  	_ =	shalt  }
0x43: {  	_ =	shalt  }
0x44: {  	_ =	shalt  }
0x45: {  	_ =	shalt  }
0x46: {  	_ =	shalt  }
0x47: {  	_ =	shalt  }
0x48: {  	_ =	shalt  }
0x49: {  	_ =	shalt  }
0x4a: {  	_ =	shalt  }
0x4b: {  	_ =	shalt  }
0x4c: {  	_ =	shalt  }
0x4d: {  	_ =	shalt  }
0x4e: {  	_ =	shalt  }
0x4f: {  	_ =	shalt  }
0x50: {  	_ =	shalt  }
0x51: {  	_ =	shalt  }
0x52: {  	_ =	shalt  }
0x53: {  	_ =	shalt  }
0x54: {  	_ =	shalt  }
0x55: {  	_ =	shalt  }
0x56: {  	_ =	shalt  }
0x57: {  	_ =	shalt  }
0x58: {  	_ =	shalt  }
0x59: {  	_ =	shalt  }
0x5a: {  	_ =	shalt  }
0x5b: {  	_ =	shalt  }
0x5c: {  	_ =	shalt  }
0x5d: {  	_ =	shalt  }
0x5e: {  	_ =	shalt  }
0x5f: {  	_ =	shalt  }
0x60: {  	_ =	shalt  }
0x61: {  	_ =	shalt  }
0x62: {  	_ =	shalt  }
0x63: {  	_ =	shalt  }
0x64: {  	_ =	shalt  }
0x65: {  	_ =	shalt  }
0x66: {  	_ =	shalt  }
0x67: {  	_ =	shalt  }
0x68: {  	_ =	shalt  }
0x69: {  	_ =	shalt  }
0x6a: {  	_ =	shalt  }
0x6b: {  	_ =	shalt  }
0x6c: {  	_ =	shalt  }
0x6d: {  	_ =	shalt  }
0x6e: {  	_ =	shalt  }
0x6f: {  	_ =	shalt  }
0x70: {  	_ =	shalt  }
0x71: {  	_ =	shalt  }
0x72: {  	_ =	shalt  }
0x73: {  	_ =	shalt  }
0x74: {  	_ =	shalt  }
0x75: {  	_ =	shalt  }
0x76: {  	_ =	shalt  }
0x77: {  	_ =	shalt  }
0x78: {  	_ =	shalt  }
0x79: {  	_ =	shalt  }
0x7a: {  	_ =	shalt  }
0x7b: {  	_ =	shalt  }
0x7c: {  	_ =	shalt  }
0x7d: {  	_ =	shalt  }
0x7e: {  	_ =	shalt  }
0x7f: {  	_ =	shalt  }
0x80: {  	_ =	shalt  }
0x81: {  	_ =	shalt  }
0x82: {  	_ =	shalt  }
0x83: {  	_ =	shalt  }
0x84: {  	_ =	shalt  }
0x85: {  	_ =	shalt  }
0x86: {  	_ =	shalt  }
0x87: {  	_ =	shalt  }
.Lfunc_end0:
.L_simem_size_0:
called_computation_lowered:
.L_overlay_start_0:
0x88: {  	s2 =	sld [smem:$0x3FD9]  }
0x89: {  	s3 =	sld [smem:$0x3FFE];
	_ =	sdelay $0x1  }
0x8a: {  	s1 =	srdreg.scid  }
0x8b: {  	s0 =	sand.u32 $0x1, s1  }
0x8c: {  	s17 =	sshll.u32 s0, $0xA;
	s2 =	sadd.s32 s3, s2  }
0x8d: {  	s2 =	sadd.s32 s2, s17  }
0x8e: {  	[smem:$0x3FC4] =	sst s2  }
0x8f: {  	_ = 	snop  }
0x90: {  	s2 =	sld [smem:$0x3FC9]  }
0x91: {  	s18 =	sld [smem:$0x3FC8];
	(tm) =	ssettm $0x1  }
0x92: {  	s4 =	sld [smem:$0x3FFB];
	_ =	sdelay $0x3  }
0x93: {  	_ =	strace s4  }
0x94: {  	s4 =	sld [smem:$0x3FFC];
	_ =	sdelay $0x3  }
0x95: {  	_ =	strace s4  }
0x96: {  	s4 =	sld [smem:$0x3FFD];
	_ =	sdelay $0x3  }
0x97: {  	_ =	strace s4  }
0x98: {  	_ =	strace $0x8FFFFFFF  }
0x99: {  	s19 =	sld [smem:$0x3FDB];
	_ =	sdelay $0x1  }
0x9a: {  	s5 =	simm.s32 $_scs_section_size  }
0x9b: {  	s6 =	simm.s32 $_size__tile_overlayer_lowered;
	s7 =	simm.s32 $_tile_overlayer_lowered  }
0x9c: {  	s22 =	simm.s32 $0x1BFF;
	s21 =	sshll.u32 s7, $0x1;
	s4 =	sadd.s32 s5, s19  }
0x9d: {  	s8 =	simm.s32 $0x0;
	s20 =	sshll.u32 s6, $0x1;
	s6 =	sadd.s32 s21, s4  }
0x9e: {  	[timem:s8], [sflag:s22] =	dma.local [hbm:s6], s20  }
0x9f: {  	_ =	swait.ge [sflag:s22], s20  }
0xa0: {  	s5 =	ssub.s32 $0x0, s20;
	[sflag:s22] =	ssyncset.done $0x0  }
0xa1: {  	[sflag:s22] =	ssyncadd.s32 s5;
	_ =	sdelay $0x1  }
0xa2: {  	s23 =	simm.s32 $0x1B8B  }
0xa3: {  	_ =	swait.ge [sflag:s23], $0x1  }
0xa4: {  	[sflag:s23] =	ssyncset.done $0x0  }
0xa5: {  	s25 =	simm.s32 $0x1B8E;
	s24 =	sld [smem:$0x3FFE];
	[sflag:s23] =	ssyncadd.s32 $0xFFFFFFFF  }
0xa6: {  	s26 =	simm.s32 $execute0_lowered;
	[smem:$0x3FD2] =	sst s25  }
0xa7: {  	s6 =	sshll.u32 s26, $0x1;
	_ =	strace $0x80000046;
	[dreg:$0x1] =	wrdreg $0xFFFFFFFF  }
0xa8: {  	s28 =	simm.s32 $_size_execute0_lowered;
	s4 =	sadd.s32 s4, s6;
	[dreg:$0x0] =	wrdreg $0x0  }
0xa9: {  	s6 =	sshll.u32 s28, $0x1;
	[dreg:$0x2] =	wrdreg s4  }
0xaa: {  	[dreg:$0x3] =	wrdreg s6  }
0xab: {  	[dreg:$0x4] =	wrdreg $0xC0  }
0xac: {  	_ =	task [dreg:s8], $0x5FFFF  }
0xad: {  	[dreg:$0x1] =	wrdreg $0xFFFFFFFF  }
0xae: {  	[dreg:$0x0] =	wrdreg $0x60  }
0xaf: {  	[dreg:$0x2] =	wrdreg s2  }
0xb0: {  	[dreg:$0x3] =	wrdreg s18  }
0xb1: {  	[dreg:$0x4] =	wrdreg s24  }
0xb2: {  	[dreg:$0x5] =	wrdreg $0x9  }
0xb3: {  	_ =	task.clear_ibuf [dreg:s8], $0x6FFFF;
	_ =	strace $0x90000046  }
0xb4: {  	s29 =	simm.s32 $0x9;
	_ =	strace $0x80000048  }
0xb5: {  	_ =	swait.ge [sflag:s29], $0x1  }
0xb6: {  	[sflag:s29] =	ssyncadd.s32 $0xFFFFFFFF  }
0xb7: {  	_ =	strace $0x90000048  }
0xb8: {  	_ =	sfence  }
0xb9: {  	s30 =	sld [smem:$0x0];
	_ =	sdelay $0x2  }
0xba: {  	s31 =	sshll.u32 s1, $0xD;
	s1 =	sshrl.u32 s1, $0x2  }
0xbb: {  	s3 =	sand.u32 $0x4000, s31;
	s1 =	sadd.s32 s1, s30  }
0xbc: {  	s0 =	sor.u32 s3, s0;
	s1 =	sshll.u32 s1, $0x11  }
0xbd: {  	s0 =	sor.u32 s1, s0  }
0xbe: {  	s0 =	sadd.s32 $0x8F2B, s0  }
0xbf: {  	[sflag:s0] =	ssyncadd.remote.s32 $0x1  }
0xc0: {  	_ =	sfence.sel $0xFFFF  }
0xc1: {  	[dreg:$0x0] =	wrdreg $0xFFFFFFFF;
	(pc) =	sbr.abs _section_cstart, $3  }
0xc2: {  	[dreg:$0x1] =	wrdreg $0xFFFFFFFF  }
0xc3: {  	_ =	task.clear_ibuf [dreg:s8], $0x2FFFF;
	_ =	strace $0x9FFFFFFF  }
0xc4: {  	(tm) =	ssettm $0x7FFFFFFF  }
0xc5: {  	_ =	shalt  }
tec
execute0_lowered:
.L_overlay_start_1:
0x0: {  	(tag) =	ssettag $0x1  }
0x1: {  	s5 =	rddreg [dreg:$0x0]  }
0x2: {  	s6 =	rddreg [dreg:$0x1]  }
0x3: {  	s7 =	rddreg [dreg:$0x2];
	s2 =	simm.s32 $0x0  }
0x4: {  	s3 =	srdreg.scid;
	s0 =	stileid.u32;
	s12 =	simm.s32 $0x1  }
0x5: {  	s14 =	simm.s32 $0x0;
	[smem:$0x7FF] =	sst s2;
	s8 =	sand.u32 $0x1, s3  }
0x6: {  	s3 =	sadd.s32 $0x400, s7;
	s9 =	sshll.u32 s0, $0xA;
	s10 =	sshll.u32 s8, $0x9  }
0x7: {  	s4 =	sadd.s32 $0xF42800, s7;
	s8 =	ssub.s32 $0x2, s8;
	s9 =	sor.u32 s10, s9  }
0x8: {  	_ =	strace $0x80000047;
	s11 =	sshrl.u32 s8, $0x1;
	s10 =	sshll.u32 s9, $0x4  }
0x9: {  	s9 =	sshrl.u32 s9, $0x3;
	s11 =	ssub.s32 s8, s11;
	s10 =	sadd.s32 s10, s7  }
0xa: {  	s5 =	sadd.s32 s5, s9;
	s6 =	sadd.s32 s6, s9;
	s9 =	smax.u32 s11, $0x1  }
0xb: {  	s7 =	sadd.s32 $0x1E84C00, s10;
	s8 =	sadd.s32 $0x1EC4C00, s10;
	s10 =	simm.s32 $0x2  }
.LBB2_1:
0xc: {  	[tilespmem:s2], [sflag:$0x2] =	stream.linear.gather [hbm4b:s5+s2], $0x200, $0x38;
	[tilespmem:$0x10400] =	vst v63  }
0xd: {  	_ =	swait.ge [sflag:s10], $0x200  }
0xe: {  	[sflag:s10] =	ssyncset.done $0x0  }
0xf: {  	s0 =	simm.s32 $0x200;
	[sflag:s10] =	ssyncadd.s32 $0xFFFFFE00  }
0x10: {  	[tilespmem:s0], [sflag:$0x2] =	stream.linear.gather [hbm4b:s6+s2], $0x200, $0x38;
	[tilespmem:$0x10400] =	vst v63  }
0x11: {  	_ =	swait.ge [sflag:s10], $0x200  }
0x12: {  	[sflag:s10] =	ssyncset.done $0x0  }
0x13: {  	[sflag:s10] =	ssyncadd.s32 $0xFFFFFE00  }
0x14: {  	v0 =	vld [tilespmem:s2+$0x0];
	_ =	sdelay $0x4  }
0x15: {  	v0 =	vshll.u32 v0, $0x4  }
0x16: {  	(v2sf) =	vpush v0, $0x0  }
0x17: {  	(v2sf) =	vpush v0, $0x1  }
0x18: {  	(v2sf) =	vpush v0, $0x2;
	_ =	sdelay $0x1  }
0x19: {  	(v2sf) =	vpush v0, $0x4;
	_ =	sdelay $0x1  }
0x1a: {  	(v2sf) =	vpush v0, $0x3  }
0x1b: {  	(v2sf) =	vpush v0, $0x5  }
0x1c: {  	s16 =	simm.s32 $0x2000;
	s15 =	simm.s32 $0x0;
	s17 =	simm.s32 $0x0;
	(v2sf) =	vpush v0, $0x6  }
.LBB2_2:
0x1d: {  	p0 =	sne.s32 s16, $0x3E000  }
0x1e: {  	s28 =	sadd.s32 $0x480, s15;
	s21 =	sadd.s32 $0x980, s15;
	s18 =	smov.u32 s16  }
0x1f: {  	s16 =	sadd.s32 $0x2000, s16;
	s24 =	sadd.s32 $0x780, s15;
	s19 =	sadd.s32 $0xA00, s15;
	(v2sf) =	vpush v0, $0x7  }
0x20: {  	s26 =	sadd.s32 $0x680, s15;
	s23 =	sadd.s32 $0x800, s15;
	s20 =	sadd.s32 $0xA80, s15  }
0x21: {  	s29 =	sadd.s32 $0x400, s15;
	s30 =	sadd.s32 $0x600, s15;
	(v2sf) =	vpush v0, $0x8  }
0x22: {  	s31 =	sadd.s32 $0x700, s15;
	s17 =	sadd.s32 $0x10, s17  }
0x23: {  	s0 =	sadd.s32 $0x500, s15;
	s22 =	sadd.s32 $0x900, s15;
	s25 =	spop (v2sf);
	(v2sf) =	vpush v0, $0x9  }
0x24: {  	s1 =	sand.u32 $0x1FFFFFF0, s25;
	s25 =	sadd.s32 $0x880, s15;
	s11 =	spop (v2sf)  }
0x25: {  	s1 =	sadd.s32 s3, s1;
	s11 =	sand.u32 $0x1FFFFFF0, s11;
	s13 =	spop (v2sf);
	(v2sf) =	vpush v0, $0xA  }
0x26: {  	[tilespmem:s29], [sflag:$0x1] =	stream.linear.gather [hbm4b:s1+s2], $0x80, $0x38;
	[tilespmem:$0x10400] =	vst v63  }
0x27: {  	s1 =	sadd.s32 s3, s11;
	s11 =	sadd.s32 $0x580, s15;
	s29 =	spop (v2sf);
	(v2sf) =	vpush v0, $0xB  }
0x28: {  	[tilespmem:s28], [sflag:$0x1] =	stream.linear.gather [hbm4b:s1+s2], $0x80, $0x38;
	[tilespmem:$0x10400] =	vst v63  }
0x29: {  	s1 =	sand.u32 $0x1FFFFFF0, s13;
	s13 =	sand.u32 $0x1FFFFFF0, s29;
	s28 =	spop (v2sf);
	(v2sf) =	vpush v0, $0xC  }
0x2a: {  	s1 =	sadd.s32 s3, s1;
	s28 =	sand.u32 $0x1FFFFFF0, s28;
	s29 =	spop (v2sf)  }
0x2b: {  	[tilespmem:s0], [sflag:$0x1] =	stream.linear.gather [hbm4b:s1+s2], $0x80, $0x38;
	(v2sf) =	vpush v0, $0xD;
	[tilespmem:$0x10400] =	vst v63  }
0x2c: {  	s0 =	sadd.s32 s3, s28;
	s1 =	sand.u32 $0x1FFFFFF0, s29;
	s28 =	spop (v2sf)  }
0x2d: {  	[tilespmem:s11], [sflag:$0x1] =	stream.linear.gather [hbm4b:s0+s2], $0x80, $0x38;
	(v2sf) =	vpush v0, $0xE;
	[tilespmem:$0x10400] =	vst v63  }
0x2e: {  	s0 =	sadd.s32 s3, s13;
	s11 =	sand.u32 $0x1FFFFFF0, s28;
	s13 =	spop (v2sf)  }
0x2f: {  	[tilespmem:s30], [sflag:$0x1] =	stream.linear.gather [hbm4b:s0+s2], $0x80, $0x38;
	(v2sf) =	vpush v0, $0xF;
	[tilespmem:$0x10400] =	vst v63  }
0x30: {  	s0 =	sadd.s32 s3, s1;
	s1 =	sand.u32 $0x1FFFFFF0, s13;
	s13 =	spop (v2sf)  }
0x31: {  	[tilespmem:s26], [sflag:$0x1] =	stream.linear.gather [hbm4b:s0+s2], $0x80, $0x38;
	[tilespmem:$0x10400] =	vst v63  }
0x32: {  	s0 =	sadd.s32 s3, s11;
	s11 =	sand.u32 $0x1FFFFFF0, s13;
	s13 =	spop (v2sf)  }
0x33: {  	[tilespmem:s31], [sflag:$0x1] =	stream.linear.gather [hbm4b:s0+s2], $0x80, $0x38;
	[tilespmem:$0x10400] =	vst v63  }
0x34: {  	s0 =	sadd.s32 s3, s1;
	s1 =	sand.u32 $0x1FFFFFF0, s13;
	s13 =	spop (v2sf)  }
0x35: {  	[tilespmem:s24], [sflag:$0x1] =	stream.linear.gather [hbm4b:s0+s2], $0x80, $0x38;
	[tilespmem:$0x10400] =	vst v63  }
0x36: {  	s0 =	sadd.s32 s3, s11;
	s11 =	sand.u32 $0x1FFFFFF0, s13;
	s13 =	spop (v2sf)  }
0x37: {  	[tilespmem:s23], [sflag:$0x1] =	stream.linear.gather [hbm4b:s0+s2], $0x80, $0x38;
	[tilespmem:$0x10400] =	vst v63  }
0x38: {  	s0 =	sadd.s32 s3, s1;
	s1 =	sand.u32 $0x1FFFFFF0, s13;
	s13 =	spop (v2sf)  }
0x39: {  	[tilespmem:s25], [sflag:$0x1] =	stream.linear.gather [hbm4b:s0+s2], $0x80, $0x38;
	[tilespmem:$0x10400] =	vst v63  }
0x3a: {  	s0 =	sadd.s32 s3, s11;
	s11 =	sand.u32 $0x1FFFFFF0, s13;
	s13 =	spop (v2sf)  }
0x3b: {  	[tilespmem:s22], [sflag:$0x1] =	stream.linear.gather [hbm4b:s0+s2], $0x80, $0x38;
	[tilespmem:$0x10400] =	vst v63  }
0x3c: {  	s0 =	sadd.s32 s3, s1;
	s1 =	sand.u32 $0x1FFFFFF0, s13;
	s13 =	spop (v2sf)  }
0x3d: {  	[tilespmem:s21], [sflag:$0x1] =	stream.linear.gather [hbm4b:s0+s2], $0x80, $0x38;
	[tilespmem:$0x10400] =	vst v63  }
0x3e: {  	s0 =	sadd.s32 s3, s11;
	s11 =	sand.u32 $0x1FFFFFF0, s13;
	s13 =	spop (v2sf)  }
0x3f: {  	[tilespmem:s19], [sflag:$0x1] =	stream.linear.gather [hbm4b:s0+s2], $0x80, $0x38;
	[tilespmem:$0x10400] =	vst v63  }
0x40: {  	s0 =	sadd.s32 s3, s1;
	s1 =	sand.u32 $0x1FFFFFF0, s13  }
0x41: {  	[tilespmem:s20], [sflag:$0x1] =	stream.linear.gather [hbm4b:s0+s2], $0x80, $0x38;
	[tilespmem:$0x10400] =	vst v63  }
0x42: {  	s11 =	sadd.s32 s3, s11;
	s0 =	sadd.s32 $0xB00, s15  }
0x43: {  	[tilespmem:s0], [sflag:$0x1] =	stream.linear.gather [hbm4b:s11+s2], $0x80, $0x38;
	[tilespmem:$0x10400] =	vst v63  }
0x44: {  	s1 =	sadd.s32 s3, s1;
	s0 =	sadd.s32 $0xB80, s15  }
0x45: {  	[tilespmem:s0], [sflag:$0x1] =	stream.linear.gather [hbm4b:s1+s2], $0x80, $0x38;
	[tilespmem:$0x10400] =	vst v63  }
0x46: {  	v0 =	vld [tilespmem:s17+$0x0];
	_ =	sdelay $0x4  }
0x47: {  	v0 =	vshll.u32 v0, $0x4  }
0x48: {  	(v2sf) =	vpush v0, $0x0  }
0x49: {  	(v2sf) =	vpush v0, $0x1  }
0x4a: {  	(v2sf) =	vpush v0, $0x2;
	_ =	sdelay $0x1  }
0x4b: {  	(v2sf) =	vpush v0, $0x4  }
.Ltmp0:
0x4c: {  	(pc) =	sbr.rel @p0 .LBB2_2-.Ltmp0, $3  }
0x4d: {  	(v2sf) =	vpush v0, $0x3  }
0x4e: {  	(v2sf) =	vpush v0, $0x5;
	_ =	sdelay $0x1  }
0x4f: {  	s15 =	sshra.s32 s18, $0x2;
	(v2sf) =	vpush v0, $0x6  }
0x50: {  	_ =	sdelay $0x1  }
0x51: {  	s0 =	sadd.s32 $0x480, s15;
	s18 =	sadd.s32 $0x980, s15  }
0x52: {  	s1 =	sadd.s32 $0x780, s15;
	s16 =	sadd.s32 $0xA00, s15;
	(v2sf) =	vpush v0, $0x7;
	s11 =	sadd.s32 $0x680, s15  }
0x53: {  	s13 =	sadd.s32 $0x800, s15;
	s17 =	sadd.s32 $0xA80, s15;
	s19 =	sadd.s32 $0x400, s15  }
0x54: {  	s20 =	sadd.s32 $0x600, s15;
	s21 =	sadd.s32 $0x700, s15;
	(v2sf) =	vpush v0, $0x8;
	s22 =	spop (v2sf)  }
0x55: {  	s23 =	sadd.s32 $0x500, s15;
	s22 =	sand.u32 $0x1FFFFFF0, s22;
	s24 =	spop (v2sf)  }
0x56: {  	(v2sf) =	vpush v0, $0x9;
	s22 =	sadd.s32 s3, s22;
	s24 =	sand.u32 $0x1FFFFFF0, s24;
	s25 =	spop (v2sf)  }
0x57: {  	[tilespmem:s19], [sflag:$0x1] =	stream.linear.gather [hbm4b:s22+s2], $0x80, $0x38;
	[tilespmem:$0x10400] =	vst v63  }
0x58: {  	s26 =	sadd.s32 $0x580, s15;
	(v2sf) =	vpush v0, $0xA;
	s30 =	sadd.s32 s3, s24;
	s31 =	spop (v2sf)  }
0x59: {  	[tilespmem:s0], [sflag:$0x1] =	stream.linear.gather [hbm4b:s30+s2], $0x80, $0x38;
	[tilespmem:$0x10400] =	vst v63  }
0x5a: {  	s19 =	sadd.s32 $0x900, s15;
	s28 =	sand.u32 $0x1FFFFFF0, s25;
	(v2sf) =	vpush v0, $0xB;
	s29 =	spop (v2sf)  }
0x5b: {  	s22 =	sadd.s32 s3, s28;
	s0 =	sadd.s32 $0x880, s15;
	s25 =	sand.u32 $0x1FFFFFF0, s29  }
0x5c: {  	(v2sf) =	vpush v0, $0xC;
	[tilespmem:s23], [sflag:$0x1] =	stream.linear.gather [hbm4b:s22+s2], $0x80, $0x38;
	[tilespmem:$0x10400] =	vst v63  }
0x5d: {  	s30 =	sand.u32 $0x1FFFFFF0, s31;
	s31 =	spop (v2sf);
	s28 =	sadd.s32 s3, s25  }
0x5e: {  	(v2sf) =	vpush v0, $0xD;
	[tilespmem:s26], [sflag:$0x1] =	stream.linear.gather [hbm4b:s28+s2], $0x80, $0x38;
	[tilespmem:$0x10400] =	vst v63  }
0x5f: {  	s22 =	sadd.s32 s3, s30;
	s23 =	sand.u32 $0x1FFFFFF0, s31;
	s29 =	spop (v2sf)  }
0x60: {  	(v2sf) =	vpush v0, $0xE;
	[tilespmem:s20], [sflag:$0x1] =	stream.linear.gather [hbm4b:s22+s2], $0x80, $0x38;
	[tilespmem:$0x10400] =	vst v63  }
0x61: {  	s23 =	sadd.s32 s3, s23;
	s30 =	sand.u32 $0x1FFFFFF0, s29;
	s31 =	spop (v2sf)  }
0x62: {  	(v2sf) =	vpush v0, $0xF;
	[tilespmem:s11], [sflag:$0x1] =	stream.linear.gather [hbm4b:s23+s2], $0x80, $0x38;
	[tilespmem:$0x10400] =	vst v63  }
0x63: {  	s24 =	sand.u32 $0x1FFFFFF0, s31;
	s25 =	spop (v2sf);
	s20 =	sadd.s32 s3, s30  }
0x64: {  	[tilespmem:s21], [sflag:$0x1] =	stream.linear.gather [hbm4b:s20+s2], $0x80, $0x38;
	[tilespmem:$0x10400] =	vst v63  }
0x65: {  	s26 =	sand.u32 $0x1FFFFFF0, s25;
	s11 =	sadd.s32 s3, s24;
	s28 =	spop (v2sf)  }
0x66: {  	[tilespmem:s1], [sflag:$0x1] =	stream.linear.gather [hbm4b:s11+s2], $0x80, $0x38;
	[tilespmem:$0x10400] =	vst v63  }
0x67: {  	s20 =	sadd.s32 s3, s26;
	s29 =	sand.u32 $0x1FFFFFF0, s28;
	s30 =	spop (v2sf)  }
0x68: {  	[tilespmem:s13], [sflag:$0x1] =	stream.linear.gather [hbm4b:s20+s2], $0x80, $0x38;
	[tilespmem:$0x10400] =	vst v63  }
0x69: {  	s11 =	sand.u32 $0x1FFFFFF0, s30;
	s1 =	sadd.s32 s3, s29;
	s31 =	spop (v2sf)  }
0x6a: {  	[tilespmem:s0], [sflag:$0x1] =	stream.linear.gather [hbm4b:s1+s2], $0x80, $0x38;
	[tilespmem:$0x10400] =	vst v63  }
0x6b: {  	s11 =	sadd.s32 s3, s11;
	s13 =	sand.u32 $0x1FFFFFF0, s31;
	s20 =	spop (v2sf)  }
0x6c: {  	[tilespmem:s19], [sflag:$0x1] =	stream.linear.gather [hbm4b:s11+s2], $0x80, $0x38;
	[tilespmem:$0x10400] =	vst v63  }
0x6d: {  	s0 =	sadd.s32 s3, s13;
	s1 =	sand.u32 $0x1FFFFFF0, s20;
	s21 =	spop (v2sf)  }
0x6e: {  	[tilespmem:s18], [sflag:$0x1] =	stream.linear.gather [hbm4b:s0+s2], $0x80, $0x38;
	[tilespmem:$0x10400] =	vst v63  }
0x6f: {  	s22 =	sand.u32 $0x1FFFFFF0, s21;
	s1 =	sadd.s32 s3, s1;
	s23 =	spop (v2sf)  }
0x70: {  	[tilespmem:s16], [sflag:$0x1] =	stream.linear.gather [hbm4b:s1+s2], $0x80, $0x38;
	[tilespmem:$0x10400] =	vst v63  }
0x71: {  	s24 =	sand.u32 $0x1FFFFFF0, s23;
	s25 =	spop (v2sf);
	s0 =	sadd.s32 s3, s22  }
0x72: {  	[tilespmem:s17], [sflag:$0x1] =	stream.linear.gather [hbm4b:s0+s2], $0x80, $0x38;
	[tilespmem:$0x10400] =	vst v63  }
0x73: {  	s28 =	sadd.s32 $0xB00, s15;
	s26 =	sand.u32 $0x1FFFFFF0, s25;
	s1 =	sadd.s32 s3, s24  }
0x74: {  	[tilespmem:s28], [sflag:$0x1] =	stream.linear.gather [hbm4b:s1+s2], $0x80, $0x38;
	[tilespmem:$0x10400] =	vst v63  }
0x75: {  	s29 =	sadd.s32 $0xB80, s15;
	s0 =	sadd.s32 s3, s26  }
0x76: {  	[tilespmem:s29], [sflag:$0x1] =	stream.linear.gather [hbm4b:s0+s2], $0x80, $0x38;
	[tilespmem:$0x10400] =	vst v63  }
0x77: {  	_ =	swait.ge [sflag:s12], $0x10000  }
0x78: {  	[sflag:s12] =	ssyncset.done $0x0  }
0x79: {  	s30 =	simm.s32 $0x0;
	s31 =	simm.s32 $0x400;
	[sflag:s12] =	ssyncadd.s32 $0xFFFF0000  }
0x7a: {  	[hbm4b:s7+s30] =	stream.linear.scatter [tilespmem:s31], [sflag:$0x2], $0x10000, $0x38;
	[tilespmem:$0x10400] =	vst v63  }
0x7b: {  	_ =	swait.ge [sflag:s10], $0x10000  }
0x7c: {  	[sflag:s10] =	ssyncset.done $0x0  }
0x7d: {  	s16 =	simm.s32 $0x200;
	[sflag:s10] =	ssyncadd.s32 $0xFFFF0000  }
0x7e: {  	v0 =	vld [tilespmem:s16+$0x0];
	_ =	sdelay $0x4  }
0x7f: {  	v0 =	vshll.u32 v0, $0x4  }
0x80: {  	(v2sf) =	vpush v0, $0x0  }
0x81: {  	(v2sf) =	vpush v0, $0x1  }
0x82: {  	(v2sf) =	vpush v0, $0x2;
	_ =	sdelay $0x1  }
0x83: {  	(v2sf) =	vpush v0, $0x4;
	_ =	sdelay $0x1  }
0x84: {  	(v2sf) =	vpush v0, $0x3  }
0x85: {  	(v2sf) =	vpush v0, $0x5  }
0x86: {  	s15 =	simm.s32 $0x0;
	s17 =	simm.s32 $0x2000;
	(v2sf) =	vpush v0, $0x6  }
.LBB2_4:
0x87: {  	p0 =	sne.s32 s17, $0x3E000  }
0x88: {  	s0 =	sadd.s32 $0x480, s15;
	s21 =	sadd.s32 $0x980, s15;
	s18 =	smov.u32 s17  }
0x89: {  	s17 =	sadd.s32 $0x2000, s17;
	s24 =	sadd.s32 $0x780, s15;
	s19 =	sadd.s32 $0xA00, s15;
	(v2sf) =	vpush v0, $0x7  }
0x8a: {  	s26 =	sadd.s32 $0x680, s15;
	s23 =	sadd.s32 $0x800, s15;
	s20 =	sadd.s32 $0xA80, s15  }
0x8b: {  	s1 =	sadd.s32 $0x400, s15;
	s11 =	sadd.s32 $0x600, s15;
	(v2sf) =	vpush v0, $0x8  }
0x8c: {  	s13 =	sadd.s32 $0x700, s15;
	s16 =	sadd.s32 $0x10, s16  }
0x8d: {  	s28 =	sadd.s32 $0x500, s15;
	s22 =	sadd.s32 $0x900, s15;
	s25 =	spop (v2sf);
	(v2sf) =	vpush v0, $0x9  }
0x8e: {  	s29 =	sand.u32 $0x1FFFFFF0, s25;
	s25 =	sadd.s32 $0x880, s15;
	s30 =	spop (v2sf)  }
0x8f: {  	s29 =	sadd.s32 s4, s29;
	s30 =	sand.u32 $0x1FFFFFF0, s30;
	s31 =	spop (v2sf);
	(v2sf) =	vpush v0, $0xA  }
0x90: {  	[tilespmem:s1], [sflag:$0x1] =	stream.linear.gather [hbm4b:s29+s2], $0x80, $0x38;
	[tilespmem:$0x10400] =	vst v63  }
0x91: {  	s1 =	sadd.s32 s4, s30;
	s29 =	sadd.s32 $0x580, s15;
	s30 =	spop (v2sf);
	(v2sf) =	vpush v0, $0xB  }
0x92: {  	[tilespmem:s0], [sflag:$0x1] =	stream.linear.gather [hbm4b:s1+s2], $0x80, $0x38;
	[tilespmem:$0x10400] =	vst v63  }
0x93: {  	s0 =	sand.u32 $0x1FFFFFF0, s31;
	s1 =	sand.u32 $0x1FFFFFF0, s30;
	s30 =	spop (v2sf);
	(v2sf) =	vpush v0, $0xC  }
0x94: {  	s0 =	sadd.s32 s4, s0;
	s30 =	sand.u32 $0x1FFFFFF0, s30;
	s31 =	spop (v2sf)  }
0x95: {  	[tilespmem:s28], [sflag:$0x1] =	stream.linear.gather [hbm4b:s0+s2], $0x80, $0x38;
	(v2sf) =	vpush v0, $0xD;
	[tilespmem:$0x10400] =	vst v63  }
0x96: {  	s0 =	sadd.s32 s4, s30;
	s28 =	sand.u32 $0x1FFFFFF0, s31;
	s30 =	spop (v2sf)  }
0x97: {  	[tilespmem:s29], [sflag:$0x1] =	stream.linear.gather [hbm4b:s0+s2], $0x80, $0x38;
	(v2sf) =	vpush v0, $0xE;
	[tilespmem:$0x10400] =	vst v63  }
0x98: {  	s0 =	sadd.s32 s4, s1;
	s1 =	sand.u32 $0x1FFFFFF0, s30;
	s29 =	spop (v2sf)  }
0x99: {  	[tilespmem:s11], [sflag:$0x1] =	stream.linear.gather [hbm4b:s0+s2], $0x80, $0x38;
	(v2sf) =	vpush v0, $0xF;
	[tilespmem:$0x10400] =	vst v63  }
0x9a: {  	s0 =	sadd.s32 s4, s28;
	s11 =	sand.u32 $0x1FFFFFF0, s29;
	s28 =	spop (v2sf)  }
0x9b: {  	[tilespmem:s26], [sflag:$0x1] =	stream.linear.gather [hbm4b:s0+s2], $0x80, $0x38;
	[tilespmem:$0x10400] =	vst v63  }
0x9c: {  	s0 =	sadd.s32 s4, s1;
	s1 =	sand.u32 $0x1FFFFFF0, s28;
	s26 =	spop (v2sf)  }
0x9d: {  	[tilespmem:s13], [sflag:$0x1] =	stream.linear.gather [hbm4b:s0+s2], $0x80, $0x38;
	[tilespmem:$0x10400] =	vst v63  }
0x9e: {  	s0 =	sadd.s32 s4, s11;
	s11 =	sand.u32 $0x1FFFFFF0, s26;
	s13 =	spop (v2sf)  }
0x9f: {  	[tilespmem:s24], [sflag:$0x1] =	stream.linear.gather [hbm4b:s0+s2], $0x80, $0x38;
	[tilespmem:$0x10400] =	vst v63  }
0xa0: {  	s0 =	sadd.s32 s4, s1;
	s1 =	sand.u32 $0x1FFFFFF0, s13;
	s13 =	spop (v2sf)  }
0xa1: {  	[tilespmem:s23], [sflag:$0x1] =	stream.linear.gather [hbm4b:s0+s2], $0x80, $0x38;
	[tilespmem:$0x10400] =	vst v63  }
0xa2: {  	s0 =	sadd.s32 s4, s11;
	s11 =	sand.u32 $0x1FFFFFF0, s13;
	s13 =	spop (v2sf)  }
0xa3: {  	[tilespmem:s25], [sflag:$0x1] =	stream.linear.gather [hbm4b:s0+s2], $0x80, $0x38;
	[tilespmem:$0x10400] =	vst v63  }
0xa4: {  	s0 =	sadd.s32 s4, s1;
	s1 =	sand.u32 $0x1FFFFFF0, s13;
	s13 =	spop (v2sf)  }
0xa5: {  	[tilespmem:s22], [sflag:$0x1] =	stream.linear.gather [hbm4b:s0+s2], $0x80, $0x38;
	[tilespmem:$0x10400] =	vst v63  }
0xa6: {  	s0 =	sadd.s32 s4, s11;
	s11 =	sand.u32 $0x1FFFFFF0, s13;
	s13 =	spop (v2sf)  }
0xa7: {  	[tilespmem:s21], [sflag:$0x1] =	stream.linear.gather [hbm4b:s0+s2], $0x80, $0x38;
	[tilespmem:$0x10400] =	vst v63  }
0xa8: {  	s0 =	sadd.s32 s4, s1;
	s1 =	sand.u32 $0x1FFFFFF0, s13;
	s13 =	spop (v2sf)  }
0xa9: {  	[tilespmem:s19], [sflag:$0x1] =	stream.linear.gather [hbm4b:s0+s2], $0x80, $0x38;
	[tilespmem:$0x10400] =	vst v63  }
0xaa: {  	s0 =	sadd.s32 s4, s11;
	s11 =	sand.u32 $0x1FFFFFF0, s13  }
0xab: {  	[tilespmem:s20], [sflag:$0x1] =	stream.linear.gather [hbm4b:s0+s2], $0x80, $0x38;
	[tilespmem:$0x10400] =	vst v63  }
0xac: {  	s1 =	sadd.s32 s4, s1;
	s0 =	sadd.s32 $0xB00, s15  }
0xad: {  	[tilespmem:s0], [sflag:$0x1] =	stream.linear.gather [hbm4b:s1+s2], $0x80, $0x38;
	[tilespmem:$0x10400] =	vst v63  }
0xae: {  	s0 =	sadd.s32 $0xB80, s15;
	s1 =	sadd.s32 s4, s11  }
0xaf: {  	[tilespmem:s0], [sflag:$0x1] =	stream.linear.gather [hbm4b:s1+s2], $0x80, $0x38;
	[tilespmem:$0x10400] =	vst v63  }
0xb0: {  	v0 =	vld [tilespmem:s16+$0x0];
	_ =	sdelay $0x4  }
0xb1: {  	v0 =	vshll.u32 v0, $0x4  }
0xb2: {  	(v2sf) =	vpush v0, $0x0  }
0xb3: {  	(v2sf) =	vpush v0, $0x1  }
0xb4: {  	(v2sf) =	vpush v0, $0x2;
	_ =	sdelay $0x1  }
0xb5: {  	(v2sf) =	vpush v0, $0x4  }
.Ltmp1:
0xb6: {  	(pc) =	sbr.rel @p0 .LBB2_4-.Ltmp1, $3  }
0xb7: {  	(v2sf) =	vpush v0, $0x3  }
0xb8: {  	(v2sf) =	vpush v0, $0x5;
	_ =	sdelay $0x1  }
0xb9: {  	s15 =	sshra.s32 s18, $0x2;
	(v2sf) =	vpush v0, $0x6  }
0xba: {  	_ =	sdelay $0x1  }
0xbb: {  	s0 =	sadd.s32 $0x480, s15;
	s18 =	sadd.s32 $0x980, s15  }
0xbc: {  	s1 =	sadd.s32 $0x780, s15;
	s16 =	sadd.s32 $0xA00, s15;
	(v2sf) =	vpush v0, $0x7;
	s11 =	sadd.s32 $0x680, s15  }
0xbd: {  	s13 =	sadd.s32 $0x800, s15;
	s17 =	sadd.s32 $0xA80, s15;
	s19 =	sadd.s32 $0x400, s15  }
0xbe: {  	s20 =	sadd.s32 $0x600, s15;
	s21 =	sadd.s32 $0x700, s15;
	(v2sf) =	vpush v0, $0x8;
	s22 =	spop (v2sf)  }
0xbf: {  	s23 =	sadd.s32 $0x500, s15;
	s22 =	sand.u32 $0x1FFFFFF0, s22;
	s24 =	spop (v2sf)  }
0xc0: {  	(v2sf) =	vpush v0, $0x9;
	s22 =	sadd.s32 s4, s22;
	s24 =	sand.u32 $0x1FFFFFF0, s24;
	s25 =	spop (v2sf)  }
0xc1: {  	[tilespmem:s19], [sflag:$0x1] =	stream.linear.gather [hbm4b:s22+s2], $0x80, $0x38;
	[tilespmem:$0x10400] =	vst v63  }
0xc2: {  	s26 =	sadd.s32 $0x580, s15;
	(v2sf) =	vpush v0, $0xA;
	s30 =	sadd.s32 s4, s24;
	s31 =	spop (v2sf)  }
0xc3: {  	[tilespmem:s0], [sflag:$0x1] =	stream.linear.gather [hbm4b:s30+s2], $0x80, $0x38;
	[tilespmem:$0x10400] =	vst v63  }
0xc4: {  	s19 =	sadd.s32 $0x900, s15;
	s28 =	sand.u32 $0x1FFFFFF0, s25;
	(v2sf) =	vpush v0, $0xB;
	s29 =	spop (v2sf)  }
0xc5: {  	s22 =	sadd.s32 s4, s28;
	s0 =	sadd.s32 $0x880, s15;
	s25 =	sand.u32 $0x1FFFFFF0, s29  }
0xc6: {  	(v2sf) =	vpush v0, $0xC;
	[tilespmem:s23], [sflag:$0x1] =	stream.linear.gather [hbm4b:s22+s2], $0x80, $0x38;
	[tilespmem:$0x10400] =	vst v63  }
0xc7: {  	s30 =	sand.u32 $0x1FFFFFF0, s31;
	s31 =	spop (v2sf);
	s28 =	sadd.s32 s4, s25  }
0xc8: {  	(v2sf) =	vpush v0, $0xD;
	[tilespmem:s26], [sflag:$0x1] =	stream.linear.gather [hbm4b:s28+s2], $0x80, $0x38;
	[tilespmem:$0x10400] =	vst v63  }
0xc9: {  	s22 =	sadd.s32 s4, s30;
	s23 =	sand.u32 $0x1FFFFFF0, s31;
	s29 =	spop (v2sf)  }
0xca: {  	(v2sf) =	vpush v0, $0xE;
	[tilespmem:s20], [sflag:$0x1] =	stream.linear.gather [hbm4b:s22+s2], $0x80, $0x38;
	[tilespmem:$0x10400] =	vst v63  }
0xcb: {  	s23 =	sadd.s32 s4, s23;
	s30 =	sand.u32 $0x1FFFFFF0, s29;
	s31 =	spop (v2sf)  }
0xcc: {  	(v2sf) =	vpush v0, $0xF;
	[tilespmem:s11], [sflag:$0x1] =	stream.linear.gather [hbm4b:s23+s2], $0x80, $0x38;
	[tilespmem:$0x10400] =	vst v63  }
0xcd: {  	s24 =	sand.u32 $0x1FFFFFF0, s31;
	s25 =	spop (v2sf);
	s20 =	sadd.s32 s4, s30  }
0xce: {  	[tilespmem:s21], [sflag:$0x1] =	stream.linear.gather [hbm4b:s20+s2], $0x80, $0x38;
	[tilespmem:$0x10400] =	vst v63  }
0xcf: {  	s26 =	sand.u32 $0x1FFFFFF0, s25;
	s11 =	sadd.s32 s4, s24;
	s28 =	spop (v2sf)  }
0xd0: {  	[tilespmem:s1], [sflag:$0x1] =	stream.linear.gather [hbm4b:s11+s2], $0x80, $0x38;
	[tilespmem:$0x10400] =	vst v63  }
0xd1: {  	s20 =	sadd.s32 s4, s26;
	s29 =	sand.u32 $0x1FFFFFF0, s28;
	s30 =	spop (v2sf)  }
0xd2: {  	[tilespmem:s13], [sflag:$0x1] =	stream.linear.gather [hbm4b:s20+s2], $0x80, $0x38;
	[tilespmem:$0x10400] =	vst v63  }
0xd3: {  	s11 =	sand.u32 $0x1FFFFFF0, s30;
	s1 =	sadd.s32 s4, s29;
	s31 =	spop (v2sf)  }
0xd4: {  	[tilespmem:s0], [sflag:$0x1] =	stream.linear.gather [hbm4b:s1+s2], $0x80, $0x38;
	[tilespmem:$0x10400] =	vst v63  }
0xd5: {  	s11 =	sadd.s32 s4, s11;
	s20 =	sand.u32 $0x1FFFFFF0, s31;
	s21 =	spop (v2sf)  }
0xd6: {  	[tilespmem:s19], [sflag:$0x1] =	stream.linear.gather [hbm4b:s11+s2], $0x80, $0x38;
	[tilespmem:$0x10400] =	vst v63  }
0xd7: {  	s0 =	sadd.s32 s4, s20;
	s1 =	sand.u32 $0x1FFFFFF0, s21;
	s22 =	spop (v2sf)  }
0xd8: {  	[tilespmem:s18], [sflag:$0x1] =	stream.linear.gather [hbm4b:s0+s2], $0x80, $0x38;
	[tilespmem:$0x10400] =	vst v63  }
0xd9: {  	s23 =	sand.u32 $0x1FFFFFF0, s22;
	s1 =	sadd.s32 s4, s1;
	s24 =	spop (v2sf)  }
0xda: {  	[tilespmem:s16], [sflag:$0x1] =	stream.linear.gather [hbm4b:s1+s2], $0x80, $0x38;
	[tilespmem:$0x10400] =	vst v63  }
0xdb: {  	s25 =	sand.u32 $0x1FFFFFF0, s24;
	s26 =	spop (v2sf);
	s0 =	sadd.s32 s4, s23  }
0xdc: {  	[tilespmem:s17], [sflag:$0x1] =	stream.linear.gather [hbm4b:s0+s2], $0x80, $0x38;
	[tilespmem:$0x10400] =	vst v63  }
0xdd: {  	s29 =	sadd.s32 $0xB00, s15;
	s28 =	sand.u32 $0x1FFFFFF0, s26;
	s1 =	sadd.s32 s4, s25  }
0xde: {  	[tilespmem:s29], [sflag:$0x1] =	stream.linear.gather [hbm4b:s1+s2], $0x80, $0x38;
	[tilespmem:$0x10400] =	vst v63  }
0xdf: {  	s30 =	sadd.s32 $0xB80, s15;
	s0 =	sadd.s32 s4, s28  }
0xe0: {  	[tilespmem:s30], [sflag:$0x1] =	stream.linear.gather [hbm4b:s0+s2], $0x80, $0x38;
	[tilespmem:$0x10400] =	vst v63  }
0xe1: {  	s14 =	sadd.s32 $0x1, s14;
	_ =	swait.ge [sflag:s12], $0x10000  }
0xe2: {  	p0 =	sne.s32 s14, s9;
	[sflag:s12] =	ssyncset.done $0x0  }
.Ltmp2:
0xe3: {  	s31 =	simm.s32 $0x400;
	[sflag:s12] =	ssyncadd.s32 $0xFFFF0000;
	(pc) =	sbr.rel @p0 .LBB2_1-.Ltmp2, $4  }
0xe4: {  	[hbm4b:s8+s2] =	stream.linear.scatter [tilespmem:s31], [sflag:$0x2], $0x10000, $0x38;
	[tilespmem:$0x10400] =	vst v63  }
0xe5: {  	_ =	swait.ge [sflag:s10], $0x10000  }
0xe6: {  	[sflag:s10] =	ssyncset.done $0x0  }
0xe7: {  	[sflag:s10] =	ssyncadd.s32 $0xFFFF0000  }
0xe8: {  	_ =	sfence.sel $0x180000  }
0xe9: {  	[bflag:$0x0] =	sbarrier.arrive $0xFFFF  }
0xea: {  	_ =	strace $0x90000047  }
0xeb: {  	s0 =	stileid.u32;
	[bflag:$0x2] =	sbarrier.arrive $0xFFFF  }
0xec: {  	p0 =	sne.s32 s0, $0x0;
	s0 =	rddreg [dreg:$0x3]  }
0xed: {  	s0 =	sadd.s32 @!p0 $0x100000, s0  }
0xee: {  	[sflag:s0] =	ssyncadd.tile.s32 @!p0 $0x1;
	_ =	shalt  }
.Lfunc_end2:
_tile_overlayer_lowered:
.L_overlay_start_2:
0xef: {  	(tag) =	ssettag $0x2  }
0xf0: {  	s0 =	rddreg [dreg:$0x0];
	s2 =	stileid.u32  }
0xf1: {  	s1 =	rddreg [dreg:$0x1];
	p0 =	sne.s32 s2, $0x0  }
0xf2: {  	s3 =	rddreg [dreg:$0x2];
	[bflag:$0x3] =	sbarrier.arrive $0xFFFF;
	s2 =	simm.s32 @!p0 $0x1C02  }
0xf3: {  	[timem:s3], [sflag:s2] =	dma.local @!p0 [hbm:s0], s1  }
0xf4: {  	s0 =	simm.s32 @!p0 $0x2  }
0xf5: {  	_ =	swait.ge @!p0 [sflag:s0], s1  }
0xf6: {  	s1 =	ssub.s32 @!p0 $0x0, s1;
	[sflag:s0] =	ssyncset.done @!p0 $0x0  }
0xf7: {  	[sflag:s0] =	ssyncadd.s32 @!p0 s1  }
0xf8: {  	[bflag:$0x3] =	sbarrier.arrive $0xFFFF  }
0xf9: {  	_ =	shalt  }

</sc_bundles>
